<compile_context>
chip_gen: v7x
topology: tpu7x:2x2x1
jax: 0.10.2.dev20260603
libtpu: 0.0.44.dev20260713+nightly
codegen_flags: <defaults>
</compile_context>

<pallas_src>
import functools

import jax
import jax.numpy as jnp
from jax import lax
from jax.experimental import pallas as pl
from jax.experimental.pallas import tpu as pltpu
from jax.experimental.pallas import tpu_sc as plsc

VOCAB = 30000
EMB = 128
EPS = 1e-12
B = 128
S = 512

NC = 2
NS = 16
NW = NC * NS
ROWS = B * S
CHUNK = 128
GROUP = CHUNK


def _sc_gather(word_emb, ids2d):
    n_rows = ids2d.shape[0] * CHUNK
    rpw = n_rows // NW
    cpw = rpw // CHUNK
    ng = rpw // GROUP
    mesh = plsc.VectorSubcoreMesh(core_axis_name="c", subcore_axis_name="s")

    @functools.partial(
        pl.kernel,
        mesh=mesh,
        out_type=jax.ShapeDtypeStruct((n_rows, EMB), jnp.float32),
        scratch_types=[
            pltpu.VMEM((cpw, CHUNK), jnp.int32),
            pltpu.VMEM((GROUP, EMB), jnp.float32),
            pltpu.VMEM((GROUP, EMB), jnp.float32),
            pltpu.VMEM((GROUP, EMB), jnp.float32),
            pltpu.VMEM((GROUP, EMB), jnp.float32),
            pltpu.SemaphoreType.DMA,
            pltpu.SemaphoreType.DMA,
            pltpu.SemaphoreType.DMA,
            pltpu.SemaphoreType.DMA,
            pltpu.SemaphoreType.DMA,
            pltpu.SemaphoreType.DMA,
            pltpu.SemaphoreType.DMA,
            pltpu.SemaphoreType.DMA,
        ],
    )
    def k(table_hbm, idx_hbm, out_hbm, idx_v,
          buf0, buf1, buf2, buf3, g0, g1, g2, g3, w0, w1, w2, w3):
        wid = lax.axis_index("s") * NC + lax.axis_index("c")
        pltpu.sync_copy(idx_hbm.at[pl.ds(wid * cpw, cpw)], idx_v)
        bufs = (buf0, buf1, buf2, buf3)
        gsems = (g0, g1, g2, g3)
        wsems = (w0, w1, w2, w3)
        nbuf = len(bufs)

        pend = [None] * nbuf
        writes = [None] * nbuf

        def fire(g):
            b = g % nbuf
            if writes[b] is not None:
                writes[b].wait()
                writes[b] = None
            pend[b] = pltpu.async_copy(
                table_hbm.at[idx_v.at[g]], bufs[b], gsems[b])

        for g in range(min(nbuf - 1, ng)):
            fire(g)
        for g in range(ng):
            if g + nbuf - 1 < ng:
                fire(g + nbuf - 1)
            b = g % nbuf
            pend[b].wait()
            writes[b] = pltpu.async_copy(
                bufs[b],
                out_hbm.at[pl.ds(wid * rpw + g * GROUP, GROUP)],
                wsems[b])
        for w in writes:
            if w is not None:
                w.wait()

    return k(word_emb, ids2d)


BB = 16


def _tc_body(we_ref, tt_ref, pos_ref, dt_ref, g_ref, b_ref, prev_ref, out_ref):
    del prev_ref
    we = we_ref[...]
    bb = we_ref.shape[0]
    ttf = tt_ref[...].reshape(bb, S, 1)
    dt = dt_ref[0][None, None, :]
    x = we + pos_ref[...][None] + ttf * dt
    mean = jnp.mean(x, axis=-1, keepdims=True)
    xc = x - mean
    var = jnp.mean(xc * xc, axis=-1, keepdims=True)
    y = xc * lax.rsqrt(var + EPS)
    out_ref[...] = y * g_ref[0][None, None, :] + b_ref[0][None, None, :]


def _tc_ln_part(we3, tt3, pos_emb, type_emb, gamma2, beta2, prev, block_off):
    nb = we3.shape[0] // BB
    in_specs = [
        pl.BlockSpec((BB, S, EMB), lambda i: (i, 0, 0)),
        pl.BlockSpec((BB, 1, S), lambda i: (i, 0, 0)),
        pl.BlockSpec((S, EMB), lambda i: (0, 0)),
        pl.BlockSpec((1, EMB), lambda i: (0, 0)),
        pl.BlockSpec((1, EMB), lambda i: (0, 0)),
        pl.BlockSpec((1, EMB), lambda i: (0, 0)),
    ]
    args = [we3, tt3, pos_emb, type_emb, gamma2, beta2]
    aliases = {}
    body = _tc_body
    if prev is not None:
        in_specs.append(pl.BlockSpec(memory_space=pl.ANY))
        args.append(prev)
        aliases = {6: 0}
    else:
        def body(we, tt, pos, ty, g, b, out):
            _tc_body(we, tt, pos, ty, g, b, None, out)
    return pl.pallas_call(
        body,
        grid=(nb,),
        in_specs=in_specs,
        out_specs=pl.BlockSpec((BB, S, EMB),
                               lambda i, o=block_off: (i + o, 0, 0)),
        out_shape=jax.ShapeDtypeStruct((B, S, EMB), jnp.float32),
        input_output_aliases=aliases,
        compiler_params=pltpu.CompilerParams(
            dimension_semantics=("parallel",)),
    )(*args)


def kernel(input_ids, position_ids, token_type_ids, inputs_embeds,
           word_emb, pos_emb, type_emb, ln_gamma, ln_beta):
    del position_ids, inputs_embeds
    ids2d = input_ids.reshape(ROWS // CHUNK, CHUNK)
    tt3 = token_type_ids.astype(jnp.float32).reshape(B, 1, S)
    gamma2 = ln_gamma.reshape(1, EMB)
    beta2 = ln_beta.reshape(1, EMB)
    posb = pos_emb + type_emb[0]
    dt2 = (type_emb[1] - type_emb[0]).reshape(1, EMB)

    nparts = 2
    hb = B // nparts
    hrows = ROWS // nparts
    hchunks = hrows // CHUNK
    out = None
    for p in range(nparts):
        rows = _sc_gather(word_emb, ids2d[p * hchunks:(p + 1) * hchunks])
        we3 = rows.reshape(hb, S, EMB)
        out = _tc_ln_part(we3, tt3[p * hb:(p + 1) * hb], posb, dt2,
                          gamma2, beta2, out, p * (hb // BB))
    return out

# --- scband reference (transcript-rebuilt; emitter-appended) ---
"""Pipeline reference for scband-tfalbert-embeddings-14199161880893 (READ-ONLY COPY).

The authoritative reference and input builder live on the scoring server;
editing this copy changes nothing except your own understanding.
"""

import jax, jax.numpy as jnp
import numpy as np

VOCAB = 30000
EMB = 128
MAXPOS = 512
TYPES = 2
EPS = 1e-12
B = 128
S = 512


def setup_inputs(seed: int = 0) -> dict:
    key = jax.random.key(seed)
    ks = jax.random.split(key, 6)
    input_ids = jax.random.randint(ks[0], (B, S), 0, VOCAB, dtype=jnp.int32)
    # Note: the TF layer only uses position_ids' SHAPE (slices pos table to
    # shape[1] then broadcasts to position_ids.shape), so we give it the full
    # [B, S, EMB] shape so the broadcast is well-defined, matching HF usage
    # where the layer is fed inputs_embeds when position_ids is None.
    position_ids = jnp.zeros((B, S, EMB), dtype=jnp.int32)
    token_type_ids = jax.random.randint(ks[1], (B, S), 0, TYPES, dtype=jnp.int32)
    inputs_embeds = jnp.zeros((B, S, EMB), dtype=jnp.float32)
    word_emb = jax.random.normal(ks[2], (VOCAB, EMB), dtype=jnp.float32) * 0.02
    pos_emb = jax.random.normal(ks[3], (MAXPOS, EMB), dtype=jnp.float32) * 0.02
    type_emb = jax.random.normal(ks[4], (TYPES, EMB), dtype=jnp.float32) * 0.02
    ln_gamma = jnp.ones((EMB,), dtype=jnp.float32)
    ln_beta = jnp.zeros((EMB,), dtype=jnp.float32)
    return {
        "input_ids": input_ids,
        "position_ids": position_ids,
        "token_type_ids": token_type_ids,
        "inputs_embeds": inputs_embeds,
        "word_emb": word_emb,
        "pos_emb": pos_emb,
        "type_emb": type_emb,
        "ln_gamma": ln_gamma,
        "ln_beta": ln_beta,
    }


def reference(input_ids, position_ids, token_type_ids, inputs_embeds,
              word_emb, pos_emb, type_emb, ln_gamma, ln_beta):
    # TFAlbertWordEmbeddings: gather (input_ids provided, so inputs_embeds is overwritten)
    we = jnp.take(word_emb, input_ids, axis=0)  # [B, S, EMB]
    # TFAlbertPositionEmbeddings: slice table to seq len, broadcast to position_ids shape
    seq = position_ids.shape[1]
    pe = jnp.broadcast_to(pos_emb[:seq, :], position_ids.shape).astype(we.dtype)
    # TFAlbertTokenTypeEmbeddings: one-hot matmul
    flat_tt = token_type_ids.reshape(-1)
    oh = jax.nn.one_hot(flat_tt, TYPES, dtype=we.dtype)
    te = (oh @ type_emb).reshape(token_type_ids.shape + (EMB,))
    # Add + LayerNorm (dropout inactive at inference)
    x = we + pe + te
    mean = jnp.mean(x, axis=-1, keepdims=True)
    var = jnp.var(x, axis=-1, keepdims=True)
    y = (x - mean) / jnp.sqrt(var + EPS) * ln_gamma + ln_beta
    return y

if __name__ == "__main__":
    import jax
    _d = setup_inputs()
    print(jax.jit(kernel)(*tuple(_d.values())))

</pallas_src>

<mosaic_0001>
#map = affine_map<(d0, d1) -> (0, 0)>
module attributes {stable_mosaic.version = 14 : i64} {
  func.func @k(%arg0: i32, %arg1: i32, %arg2: memref<30000x128xf32, #tpu.memory_space<hbm>>, %arg3: memref<256x128xi32, #tpu.memory_space<hbm>>, %arg4: memref<32768x128xf32, #tpu.memory_space<hbm>>, %arg5: memref<8x128xi32, #tpu.memory_space<vmem>>, %arg6: memref<128x128xf32, #tpu.memory_space<vmem>>, %arg7: memref<128x128xf32, #tpu.memory_space<vmem>>, %arg8: memref<128x128xf32, #tpu.memory_space<vmem>>, %arg9: memref<128x128xf32, #tpu.memory_space<vmem>>, %arg10: memref<!tpu.dma_semaphore, #tpu.memory_space<semaphore_mem>>, %arg11: memref<!tpu.dma_semaphore, #tpu.memory_space<semaphore_mem>>, %arg12: memref<!tpu.dma_semaphore, #tpu.memory_space<semaphore_mem>>, %arg13: memref<!tpu.dma_semaphore, #tpu.memory_space<semaphore_mem>>, %arg14: memref<!tpu.dma_semaphore, #tpu.memory_space<semaphore_mem>>, %arg15: memref<!tpu.dma_semaphore, #tpu.memory_space<semaphore_mem>>, %arg16: memref<!tpu.dma_semaphore, #tpu.memory_space<semaphore_mem>>, %arg17: memref<!tpu.dma_semaphore, #tpu.memory_space<semaphore_mem>>) attributes {dimension_semantics = [#tpu.dimension_semantics<core_parallel>, #tpu.dimension_semantics<subcore_parallel>], iteration_bounds = array<i64: 2, 16>, scalar_prefetch = 0 : i64, scratch_operands = 13 : i64, tpu.core_type = #tpu.core_type<sc_vector_subcore>, window_params = [{transform_indices = #map}, {transform_indices = #map}, {transform_indices = #map}]} {
    %mul3A = arith.constant 2 : i32
    %mul3A_0 = arith.muli %arg1, %mul3A : i32
    %add3A = arith.addi %mul3A_0, %arg0 : i32
    %mul3A_1 = arith.constant 8 : i32
    %mul3A_2 = arith.muli %add3A, %mul3A_1 : i32
    "tpu.region"() ({
      %run_scoped3A = tpu.sem_alloc : memref<!tpu.dma_semaphore, #tpu.memory_space<semaphore_mem>>
      %dma_start3A_209 = arith.constant 0 : i32
      %dma_start3A_210 = tpu.memref_slice %arg3[%mul3A_2, %dma_start3A_209] : memref<256x128xi32, #tpu.memory_space<hbm>> -> memref<8x128xi32, #tpu.memory_space<hbm>>
      %dma_start3A_211 = arith.constant 0 : i32
      %dma_start3A_212 = tpu.memref_slice %arg3[%mul3A_2, %dma_start3A_211] : memref<256x128xi32, #tpu.memory_space<hbm>> -> memref<8x128xi32, #tpu.memory_space<hbm>>
      tpu.enqueue_dma source(%dma_start3A_212 : memref<8x128xi32, #tpu.memory_space<hbm>>) target(%arg5 : memref<8x128xi32, #tpu.memory_space<vmem>>) target_semaphore(%run_scoped3A : memref<!tpu.dma_semaphore, #tpu.memory_space<semaphore_mem>>)
      %dma_wait3A_213 = arith.constant 0 : i32
      %dma_wait3A_214 = tpu.memref_slice %arg3[%mul3A_2, %dma_wait3A_213] : memref<256x128xi32, #tpu.memory_space<hbm>> -> memref<8x128xi32, #tpu.memory_space<hbm>>
      %dma_wait3A_215 = arith.constant 0 : i32
      %dma_wait3A_216 = tpu.memref_slice %arg3[%mul3A_2, %dma_wait3A_215] : memref<256x128xi32, #tpu.memory_space<hbm>> -> memref<8x128xi32, #tpu.memory_space<hbm>>
      tpu.wait_dma2 semaphore(%run_scoped3A : memref<!tpu.dma_semaphore, #tpu.memory_space<semaphore_mem>>) src(%dma_wait3A_216 : memref<8x128xi32, #tpu.memory_space<hbm>>) dst(%arg5 : memref<8x128xi32, #tpu.memory_space<vmem>>)
      tpu.yield
    }) : () -> ()
    %dma_start3A = arith.constant 0 : i32
    %dma_start3A_3 = arith.constant 0 : i32
    %dma_start3A_4 = tpu.memref_slice %arg5[%dma_start3A, %dma_start3A_3] : memref<8x128xi32, #tpu.memory_space<vmem>> -> memref<1x128xi32, #tpu.memory_space<vmem>>
    %dma_start3A_5 = tpu.memref_squeeze %dma_start3A_4 : memref<1x128xi32, #tpu.memory_space<vmem>> -> memref<128xi32, #tpu.memory_space<vmem>>
    %dma_start3A_6 = arith.constant 0 : i32
    %dma_start3A_7 = arith.constant 0 : i32
    %dma_start3A_8 = tpu.memref_slice %arg2[%dma_start3A_6, %dma_start3A_7] : memref<30000x128xf32, #tpu.memory_space<hbm>> -> memref<30000x128xf32, #tpu.memory_space<hbm>>
    tpu.enqueue_indirect_dma source(%dma_start3A_8 : memref<30000x128xf32, #tpu.memory_space<hbm>>) target(%arg6 : memref<128x128xf32, #tpu.memory_space<vmem>>) offsets(%dma_start3A_5 : memref<128xi32, #tpu.memory_space<vmem>>) semaphore(%arg10 : memref<!tpu.dma_semaphore, #tpu.memory_space<semaphore_mem>>)
    %dma_start3A_9 = arith.constant 1 : i32
    %dma_start3A_10 = arith.constant 0 : i32
    %dma_start3A_11 = tpu.memref_slice %arg5[%dma_start3A_9, %dma_start3A_10] : memref<8x128xi32, #tpu.memory_space<vmem>> -> memref<1x128xi32, #tpu.memory_space<vmem>>
    %dma_start3A_12 = tpu.memref_squeeze %dma_start3A_11 : memref<1x128xi32, #tpu.memory_space<vmem>> -> memref<128xi32, #tpu.memory_space<vmem>>
    %dma_start3A_13 = arith.constant 0 : i32
    %dma_start3A_14 = arith.constant 0 : i32
    %dma_start3A_15 = tpu.memref_slice %arg2[%dma_start3A_13, %dma_start3A_14] : memref<30000x128xf32, #tpu.memory_space<hbm>> -> memref<30000x128xf32, #tpu.memory_space<hbm>>
    tpu.enqueue_indirect_dma source(%dma_start3A_15 : memref<30000x128xf32, #tpu.memory_space<hbm>>) target(%arg7 : memref<128x128xf32, #tpu.memory_space<vmem>>) offsets(%dma_start3A_12 : memref<128xi32, #tpu.memory_space<vmem>>) semaphore(%arg11 : memref<!tpu.dma_semaphore, #tpu.memory_space<semaphore_mem>>)
    %dma_start3A_16 = arith.constant 2 : i32
    %dma_start3A_17 = arith.constant 0 : i32
    %dma_start3A_18 = tpu.memref_slice %arg5[%dma_start3A_16, %dma_start3A_17] : memref<8x128xi32, #tpu.memory_space<vmem>> -> memref<1x128xi32, #tpu.memory_space<vmem>>
    %dma_start3A_19 = tpu.memref_squeeze %dma_start3A_18 : memref<1x128xi32, #tpu.memory_space<vmem>> -> memref<128xi32, #tpu.memory_space<vmem>>
    %dma_start3A_20 = arith.constant 0 : i32
    %dma_start3A_21 = arith.constant 0 : i32
    %dma_start3A_22 = tpu.memref_slice %arg2[%dma_start3A_20, %dma_start3A_21] : memref<30000x128xf32, #tpu.memory_space<hbm>> -> memref<30000x128xf32, #tpu.memory_space<hbm>>
    tpu.enqueue_indirect_dma source(%dma_start3A_22 : memref<30000x128xf32, #tpu.memory_space<hbm>>) target(%arg8 : memref<128x128xf32, #tpu.memory_space<vmem>>) offsets(%dma_start3A_19 : memref<128xi32, #tpu.memory_space<vmem>>) semaphore(%arg12 : memref<!tpu.dma_semaphore, #tpu.memory_space<semaphore_mem>>)
    %dma_start3A_23 = arith.constant 3 : i32
    %dma_start3A_24 = arith.constant 0 : i32
    %dma_start3A_25 = tpu.memref_slice %arg5[%dma_start3A_23, %dma_start3A_24] : memref<8x128xi32, #tpu.memory_space<vmem>> -> memref<1x128xi32, #tpu.memory_space<vmem>>
    %dma_start3A_26 = tpu.memref_squeeze %dma_start3A_25 : memref<1x128xi32, #tpu.memory_space<vmem>> -> memref<128xi32, #tpu.memory_space<vmem>>
    %dma_start3A_27 = arith.constant 0 : i32
    %dma_start3A_28 = arith.constant 0 : i32
    %dma_start3A_29 = tpu.memref_slice %arg2[%dma_start3A_27, %dma_start3A_28] : memref<30000x128xf32, #tpu.memory_space<hbm>> -> memref<30000x128xf32, #tpu.memory_space<hbm>>
    tpu.enqueue_indirect_dma source(%dma_start3A_29 : memref<30000x128xf32, #tpu.memory_space<hbm>>) target(%arg9 : memref<128x128xf32, #tpu.memory_space<vmem>>) offsets(%dma_start3A_26 : memref<128xi32, #tpu.memory_space<vmem>>) semaphore(%arg13 : memref<!tpu.dma_semaphore, #tpu.memory_space<semaphore_mem>>)
    %dma_wait3A = arith.constant 0 : i32
    %dma_wait3A_30 = arith.constant 0 : i32
    %dma_wait3A_31 = tpu.memref_slice %arg5[%dma_wait3A, %dma_wait3A_30] : memref<8x128xi32, #tpu.memory_space<vmem>> -> memref<1x128xi32, #tpu.memory_space<vmem>>
    %dma_wait3A_32 = tpu.memref_squeeze %dma_wait3A_31 : memref<1x128xi32, #tpu.memory_space<vmem>> -> memref<128xi32, #tpu.memory_space<vmem>>
    %dma_wait3A_33 = arith.constant 0 : i32
    %dma_wait3A_34 = arith.constant 0 : i32
    %dma_wait3A_35 = tpu.memref_slice %arg2[%dma_wait3A_33, %dma_wait3A_34] : memref<30000x128xf32, #tpu.memory_space<hbm>> -> memref<30000x128xf32, #tpu.memory_space<hbm>>
    tpu.wait_indirect_dma semaphore(%arg10 : memref<!tpu.dma_semaphore, #tpu.memory_space<semaphore_mem>>) src(%dma_wait3A_35 : memref<30000x128xf32, #tpu.memory_space<hbm>>) dst(%arg6 : memref<128x128xf32, #tpu.memory_space<vmem>>)
    %mul3A_36 = arith.constant 1024 : i32
    %mul3A_37 = arith.muli %add3A, %mul3A_36 : i32
    %add3A_38 = arith.constant 0 : i32
    %add3A_39 = arith.addi %mul3A_37, %add3A_38 : i32
    %dma_start3A_40 = arith.constant 0 : i32
    %dma_start3A_41 = tpu.memref_slice %arg4[%add3A_39, %dma_start3A_40] : memref<32768x128xf32, #tpu.memory_space<hbm>> -> memref<128x128xf32, #tpu.memory_space<hbm>>
    %dma_start3A_42 = arith.constant 0 : i32
    %dma_start3A_43 = tpu.memref_slice %arg4[%add3A_39, %dma_start3A_42] : memref<32768x128xf32, #tpu.memory_space<hbm>> -> memref<128x128xf32, #tpu.memory_space<hbm>>
    tpu.enqueue_dma source(%arg6 : memref<128x128xf32, #tpu.memory_space<vmem>>) target(%dma_start3A_43 : memref<128x128xf32, #tpu.memory_space<hbm>>) target_semaphore(%arg14 : memref<!tpu.dma_semaphore, #tpu.memory_space<semaphore_mem>>)
    %dma_wait3A_44 = arith.constant 0 : i32
    %dma_wait3A_45 = tpu.memref_slice %arg4[%add3A_39, %dma_wait3A_44] : memref<32768x128xf32, #tpu.memory_space<hbm>> -> memref<128x128xf32, #tpu.memory_space<hbm>>
    %dma_wait3A_46 = arith.constant 0 : i32
    %dma_wait3A_47 = tpu.memref_slice %arg4[%add3A_39, %dma_wait3A_46] : memref<32768x128xf32, #tpu.memory_space<hbm>> -> memref<128x128xf32, #tpu.memory_space<hbm>>
    tpu.wait_dma2 semaphore(%arg14 : memref<!tpu.dma_semaphore, #tpu.memory_space<semaphore_mem>>) src(%arg6 : memref<128x128xf32, #tpu.memory_space<vmem>>) dst(%dma_wait3A_47 : memref<128x128xf32, #tpu.memory_space<hbm>>)
    %dma_start3A_48 = arith.constant 4 : i32
    %dma_start3A_49 = arith.constant 0 : i32
    %dma_start3A_50 = tpu.memref_slice %arg5[%dma_start3A_48, %dma_start3A_49] : memref<8x128xi32, #tpu.memory_space<vmem>> -> memref<1x128xi32, #tpu.memory_space<vmem>>
    %dma_start3A_51 = tpu.memref_squeeze %dma_start3A_50 : memref<1x128xi32, #tpu.memory_space<vmem>> -> memref<128xi32, #tpu.memory_space<vmem>>
    %dma_start3A_52 = arith.constant 0 : i32
    %dma_start3A_53 = arith.constant 0 : i32
    %dma_start3A_54 = tpu.memref_slice %arg2[%dma_start3A_52, %dma_start3A_53] : memref<30000x128xf32, #tpu.memory_space<hbm>> -> memref<30000x128xf32, #tpu.memory_space<hbm>>
    tpu.enqueue_indirect_dma source(%dma_start3A_54 : memref<30000x128xf32, #tpu.memory_space<hbm>>) target(%arg6 : memref<128x128xf32, #tpu.memory_space<vmem>>) offsets(%dma_start3A_51 : memref<128xi32, #tpu.memory_space<vmem>>) semaphore(%arg10 : memref<!tpu.dma_semaphore, #tpu.memory_space<semaphore_mem>>)
    %dma_wait3A_55 = arith.constant 1 : i32
    %dma_wait3A_56 = arith.constant 0 : i32
    %dma_wait3A_57 = tpu.memref_slice %arg5[%dma_wait3A_55, %dma_wait3A_56] : memref<8x128xi32, #tpu.memory_space<vmem>> -> memref<1x128xi32, #tpu.memory_space<vmem>>
    %dma_wait3A_58 = tpu.memref_squeeze %dma_wait3A_57 : memref<1x128xi32, #tpu.memory_space<vmem>> -> memref<128xi32, #tpu.memory_space<vmem>>
    %dma_wait3A_59 = arith.constant 0 : i32
    %dma_wait3A_60 = arith.constant 0 : i32
    %dma_wait3A_61 = tpu.memref_slice %arg2[%dma_wait3A_59, %dma_wait3A_60] : memref<30000x128xf32, #tpu.memory_space<hbm>> -> memref<30000x128xf32, #tpu.memory_space<hbm>>
    tpu.wait_indirect_dma semaphore(%arg11 : memref<!tpu.dma_semaphore, #tpu.memory_space<semaphore_mem>>) src(%dma_wait3A_61 : memref<30000x128xf32, #tpu.memory_space<hbm>>) dst(%arg7 : memref<128x128xf32, #tpu.memory_space<vmem>>)
    %mul3A_62 = arith.constant 1024 : i32
    %mul3A_63 = arith.muli %add3A, %mul3A_62 : i32
    %add3A_64 = arith.constant 128 : i32
    %add3A_65 = arith.addi %mul3A_63, %add3A_64 : i32
    %dma_start3A_66 = arith.constant 0 : i32
    %dma_start3A_67 = tpu.memref_slice %arg4[%add3A_65, %dma_start3A_66] : memref<32768x128xf32, #tpu.memory_space<hbm>> -> memref<128x128xf32, #tpu.memory_space<hbm>>
    %dma_start3A_68 = arith.constant 0 : i32
    %dma_start3A_69 = tpu.memref_slice %arg4[%add3A_65, %dma_start3A_68] : memref<32768x128xf32, #tpu.memory_space<hbm>> -> memref<128x128xf32, #tpu.memory_space<hbm>>
    tpu.enqueue_dma source(%arg7 : memref<128x128xf32, #tpu.memory_space<vmem>>) target(%dma_start3A_69 : memref<128x128xf32, #tpu.memory_space<hbm>>) target_semaphore(%arg15 : memref<!tpu.dma_semaphore, #tpu.memory_space<semaphore_mem>>)
    %dma_wait3A_70 = arith.constant 0 : i32
    %dma_wait3A_71 = tpu.memref_slice %arg4[%add3A_65, %dma_wait3A_70] : memref<32768x128xf32, #tpu.memory_space<hbm>> -> memref<128x128xf32, #tpu.memory_space<hbm>>
    %dma_wait3A_72 = arith.constant 0 : i32
    %dma_wait3A_73 = tpu.memref_slice %arg4[%add3A_65, %dma_wait3A_72] : memref<32768x128xf32, #tpu.memory_space<hbm>> -> memref<128x128xf32, #tpu.memory_space<hbm>>
    tpu.wait_dma2 semaphore(%arg15 : memref<!tpu.dma_semaphore, #tpu.memory_space<semaphore_mem>>) src(%arg7 : memref<128x128xf32, #tpu.memory_space<vmem>>) dst(%dma_wait3A_73 : memref<128x128xf32, #tpu.memory_space<hbm>>)
    %dma_start3A_74 = arith.constant 5 : i32
    %dma_start3A_75 = arith.constant 0 : i32
    %dma_start3A_76 = tpu.memref_slice %arg5[%dma_start3A_74, %dma_start3A_75] : memref<8x128xi32, #tpu.memory_space<vmem>> -> memref<1x128xi32, #tpu.memory_space<vmem>>
    %dma_start3A_77 = tpu.memref_squeeze %dma_start3A_76 : memref<1x128xi32, #tpu.memory_space<vmem>> -> memref<128xi32, #tpu.memory_space<vmem>>
    %dma_start3A_78 = arith.constant 0 : i32
    %dma_start3A_79 = arith.constant 0 : i32
    %dma_start3A_80 = tpu.memref_slice %arg2[%dma_start3A_78, %dma_start3A_79] : memref<30000x128xf32, #tpu.memory_space<hbm>> -> memref<30000x128xf32, #tpu.memory_space<hbm>>
    tpu.enqueue_indirect_dma source(%dma_start3A_80 : memref<30000x128xf32, #tpu.memory_space<hbm>>) target(%arg7 : memref<128x128xf32, #tpu.memory_space<vmem>>) offsets(%dma_start3A_77 : memref<128xi32, #tpu.memory_space<vmem>>) semaphore(%arg11 : memref<!tpu.dma_semaphore, #tpu.memory_space<semaphore_mem>>)
    %dma_wait3A_81 = arith.constant 2 : i32
    %dma_wait3A_82 = arith.constant 0 : i32
    %dma_wait3A_83 = tpu.memref_slice %arg5[%dma_wait3A_81, %dma_wait3A_82] : memref<8x128xi32, #tpu.memory_space<vmem>> -> memref<1x128xi32, #tpu.memory_space<vmem>>
    %dma_wait3A_84 = tpu.memref_squeeze %dma_wait3A_83 : memref<1x128xi32, #tpu.memory_space<vmem>> -> memref<128xi32, #tpu.memory_space<vmem>>
    %dma_wait3A_85 = arith.constant 0 : i32
    %dma_wait3A_86 = arith.constant 0 : i32
    %dma_wait3A_87 = tpu.memref_slice %arg2[%dma_wait3A_85, %dma_wait3A_86] : memref<30000x128xf32, #tpu.memory_space<hbm>> -> memref<30000x128xf32, #tpu.memory_space<hbm>>
    tpu.wait_indirect_dma semaphore(%arg12 : memref<!tpu.dma_semaphore, #tpu.memory_space<semaphore_mem>>) src(%dma_wait3A_87 : memref<30000x128xf32, #tpu.memory_space<hbm>>) dst(%arg8 : memref<128x128xf32, #tpu.memory_space<vmem>>)
    %mul3A_88 = arith.constant 1024 : i32
    %mul3A_89 = arith.muli %add3A, %mul3A_88 : i32
    %add3A_90 = arith.constant 256 : i32
    %add3A_91 = arith.addi %mul3A_89, %add3A_90 : i32
    %dma_start3A_92 = arith.constant 0 : i32
    %dma_start3A_93 = tpu.memref_slice %arg4[%add3A_91, %dma_start3A_92] : memref<32768x128xf32, #tpu.memory_space<hbm>> -> memref<128x128xf32, #tpu.memory_space<hbm>>
    %dma_start3A_94 = arith.constant 0 : i32
    %dma_start3A_95 = tpu.memref_slice %arg4[%add3A_91, %dma_start3A_94] : memref<32768x128xf32, #tpu.memory_space<hbm>> -> memref<128x128xf32, #tpu.memory_space<hbm>>
    tpu.enqueue_dma source(%arg8 : memref<128x128xf32, #tpu.memory_space<vmem>>) target(%dma_start3A_95 : memref<128x128xf32, #tpu.memory_space<hbm>>) target_semaphore(%arg16 : memref<!tpu.dma_semaphore, #tpu.memory_space<semaphore_mem>>)
    %dma_wait3A_96 = arith.constant 0 : i32
    %dma_wait3A_97 = tpu.memref_slice %arg4[%add3A_91, %dma_wait3A_96] : memref<32768x128xf32, #tpu.memory_space<hbm>> -> memref<128x128xf32, #tpu.memory_space<hbm>>
    %dma_wait3A_98 = arith.constant 0 : i32
    %dma_wait3A_99 = tpu.memref_slice %arg4[%add3A_91, %dma_wait3A_98] : memref<32768x128xf32, #tpu.memory_space<hbm>> -> memref<128x128xf32, #tpu.memory_space<hbm>>
    tpu.wait_dma2 semaphore(%arg16 : memref<!tpu.dma_semaphore, #tpu.memory_space<semaphore_mem>>) src(%arg8 : memref<128x128xf32, #tpu.memory_space<vmem>>) dst(%dma_wait3A_99 : memref<128x128xf32, #tpu.memory_space<hbm>>)
    %dma_start3A_100 = arith.constant 6 : i32
    %dma_start3A_101 = arith.constant 0 : i32
    %dma_start3A_102 = tpu.memref_slice %arg5[%dma_start3A_100, %dma_start3A_101] : memref<8x128xi32, #tpu.memory_space<vmem>> -> memref<1x128xi32, #tpu.memory_space<vmem>>
    %dma_start3A_103 = tpu.memref_squeeze %dma_start3A_102 : memref<1x128xi32, #tpu.memory_space<vmem>> -> memref<128xi32, #tpu.memory_space<vmem>>
    %dma_start3A_104 = arith.constant 0 : i32
    %dma_start3A_105 = arith.constant 0 : i32
    %dma_start3A_106 = tpu.memref_slice %arg2[%dma_start3A_104, %dma_start3A_105] : memref<30000x128xf32, #tpu.memory_space<hbm>> -> memref<30000x128xf32, #tpu.memory_space<hbm>>
    tpu.enqueue_indirect_dma source(%dma_start3A_106 : memref<30000x128xf32, #tpu.memory_space<hbm>>) target(%arg8 : memref<128x128xf32, #tpu.memory_space<vmem>>) offsets(%dma_start3A_103 : memref<128xi32, #tpu.memory_space<vmem>>) semaphore(%arg12 : memref<!tpu.dma_semaphore, #tpu.memory_space<semaphore_mem>>)
    %dma_wait3A_107 = arith.constant 3 : i32
    %dma_wait3A_108 = arith.constant 0 : i32
    %dma_wait3A_109 = tpu.memref_slice %arg5[%dma_wait3A_107, %dma_wait3A_108] : memref<8x128xi32, #tpu.memory_space<vmem>> -> memref<1x128xi32, #tpu.memory_space<vmem>>
    %dma_wait3A_110 = tpu.memref_squeeze %dma_wait3A_109 : memref<1x128xi32, #tpu.memory_space<vmem>> -> memref<128xi32, #tpu.memory_space<vmem>>
    %dma_wait3A_111 = arith.constant 0 : i32
    %dma_wait3A_112 = arith.constant 0 : i32
    %dma_wait3A_113 = tpu.memref_slice %arg2[%dma_wait3A_111, %dma_wait3A_112] : memref<30000x128xf32, #tpu.memory_space<hbm>> -> memref<30000x128xf32, #tpu.memory_space<hbm>>
    tpu.wait_indirect_dma semaphore(%arg13 : memref<!tpu.dma_semaphore, #tpu.memory_space<semaphore_mem>>) src(%dma_wait3A_113 : memref<30000x128xf32, #tpu.memory_space<hbm>>) dst(%arg9 : memref<128x128xf32, #tpu.memory_space<vmem>>)
    %mul3A_114 = arith.constant 1024 : i32
    %mul3A_115 = arith.muli %add3A, %mul3A_114 : i32
    %add3A_116 = arith.constant 384 : i32
    %add3A_117 = arith.addi %mul3A_115, %add3A_116 : i32
    %dma_start3A_118 = arith.constant 0 : i32
    %dma_start3A_119 = tpu.memref_slice %arg4[%add3A_117, %dma_start3A_118] : memref<32768x128xf32, #tpu.memory_space<hbm>> -> memref<128x128xf32, #tpu.memory_space<hbm>>
    %dma_start3A_120 = arith.constant 0 : i32
    %dma_start3A_121 = tpu.memref_slice %arg4[%add3A_117, %dma_start3A_120] : memref<32768x128xf32, #tpu.memory_space<hbm>> -> memref<128x128xf32, #tpu.memory_space<hbm>>
    tpu.enqueue_dma source(%arg9 : memref<128x128xf32, #tpu.memory_space<vmem>>) target(%dma_start3A_121 : memref<128x128xf32, #tpu.memory_space<hbm>>) target_semaphore(%arg17 : memref<!tpu.dma_semaphore, #tpu.memory_space<semaphore_mem>>)
    %dma_wait3A_122 = arith.constant 0 : i32
    %dma_wait3A_123 = tpu.memref_slice %arg4[%add3A_117, %dma_wait3A_122] : memref<32768x128xf32, #tpu.memory_space<hbm>> -> memref<128x128xf32, #tpu.memory_space<hbm>>
    %dma_wait3A_124 = arith.constant 0 : i32
    %dma_wait3A_125 = tpu.memref_slice %arg4[%add3A_117, %dma_wait3A_124] : memref<32768x128xf32, #tpu.memory_space<hbm>> -> memref<128x128xf32, #tpu.memory_space<hbm>>
    tpu.wait_dma2 semaphore(%arg17 : memref<!tpu.dma_semaphore, #tpu.memory_space<semaphore_mem>>) src(%arg9 : memref<128x128xf32, #tpu.memory_space<vmem>>) dst(%dma_wait3A_125 : memref<128x128xf32, #tpu.memory_space<hbm>>)
    %dma_start3A_126 = arith.constant 7 : i32
    %dma_start3A_127 = arith.constant 0 : i32
    %dma_start3A_128 = tpu.memref_slice %arg5[%dma_start3A_126, %dma_start3A_127] : memref<8x128xi32, #tpu.memory_space<vmem>> -> memref<1x128xi32, #tpu.memory_space<vmem>>
    %dma_start3A_129 = tpu.memref_squeeze %dma_start3A_128 : memref<1x128xi32, #tpu.memory_space<vmem>> -> memref<128xi32, #tpu.memory_space<vmem>>
    %dma_start3A_130 = arith.constant 0 : i32
    %dma_start3A_131 = arith.constant 0 : i32
    %dma_start3A_132 = tpu.memref_slice %arg2[%dma_start3A_130, %dma_start3A_131] : memref<30000x128xf32, #tpu.memory_space<hbm>> -> memref<30000x128xf32, #tpu.memory_space<hbm>>
    tpu.enqueue_indirect_dma source(%dma_start3A_132 : memref<30000x128xf32, #tpu.memory_space<hbm>>) target(%arg9 : memref<128x128xf32, #tpu.memory_space<vmem>>) offsets(%dma_start3A_129 : memref<128xi32, #tpu.memory_space<vmem>>) semaphore(%arg13 : memref<!tpu.dma_semaphore, #tpu.memory_space<semaphore_mem>>)
    %dma_wait3A_133 = arith.constant 4 : i32
    %dma_wait3A_134 = arith.constant 0 : i32
    %dma_wait3A_135 = tpu.memref_slice %arg5[%dma_wait3A_133, %dma_wait3A_134] : memref<8x128xi32, #tpu.memory_space<vmem>> -> memref<1x128xi32, #tpu.memory_space<vmem>>
    %dma_wait3A_136 = tpu.memref_squeeze %dma_wait3A_135 : memref<1x128xi32, #tpu.memory_space<vmem>> -> memref<128xi32, #tpu.memory_space<vmem>>
    %dma_wait3A_137 = arith.constant 0 : i32
    %dma_wait3A_138 = arith.constant 0 : i32
    %dma_wait3A_139 = tpu.memref_slice %arg2[%dma_wait3A_137, %dma_wait3A_138] : memref<30000x128xf32, #tpu.memory_space<hbm>> -> memref<30000x128xf32, #tpu.memory_space<hbm>>
    tpu.wait_indirect_dma semaphore(%arg10 : memref<!tpu.dma_semaphore, #tpu.memory_space<semaphore_mem>>) src(%dma_wait3A_139 : memref<30000x128xf32, #tpu.memory_space<hbm>>) dst(%arg6 : memref<128x128xf32, #tpu.memory_space<vmem>>)
    %mul3A_140 = arith.constant 1024 : i32
    %mul3A_141 = arith.muli %add3A, %mul3A_140 : i32
    %add3A_142 = arith.constant 512 : i32
    %add3A_143 = arith.addi %mul3A_141, %add3A_142 : i32
    %dma_start3A_144 = arith.constant 0 : i32
    %dma_start3A_145 = tpu.memref_slice %arg4[%add3A_143, %dma_start3A_144] : memref<32768x128xf32, #tpu.memory_space<hbm>> -> memref<128x128xf32, #tpu.memory_space<hbm>>
    %dma_start3A_146 = arith.constant 0 : i32
    %dma_start3A_147 = tpu.memref_slice %arg4[%add3A_143, %dma_start3A_146] : memref<32768x128xf32, #tpu.memory_space<hbm>> -> memref<128x128xf32, #tpu.memory_space<hbm>>
    tpu.enqueue_dma source(%arg6 : memref<128x128xf32, #tpu.memory_space<vmem>>) target(%dma_start3A_147 : memref<128x128xf32, #tpu.memory_space<hbm>>) target_semaphore(%arg14 : memref<!tpu.dma_semaphore, #tpu.memory_space<semaphore_mem>>)
    %dma_wait3A_148 = arith.constant 5 : i32
    %dma_wait3A_149 = arith.constant 0 : i32
    %dma_wait3A_150 = tpu.memref_slice %arg5[%dma_wait3A_148, %dma_wait3A_149] : memref<8x128xi32, #tpu.memory_space<vmem>> -> memref<1x128xi32, #tpu.memory_space<vmem>>
    %dma_wait3A_151 = tpu.memref_squeeze %dma_wait3A_150 : memref<1x128xi32, #tpu.memory_space<vmem>> -> memref<128xi32, #tpu.memory_space<vmem>>
    %dma_wait3A_152 = arith.constant 0 : i32
    %dma_wait3A_153 = arith.constant 0 : i32
    %dma_wait3A_154 = tpu.memref_slice %arg2[%dma_wait3A_152, %dma_wait3A_153] : memref<30000x128xf32, #tpu.memory_space<hbm>> -> memref<30000x128xf32, #tpu.memory_space<hbm>>
    tpu.wait_indirect_dma semaphore(%arg11 : memref<!tpu.dma_semaphore, #tpu.memory_space<semaphore_mem>>) src(%dma_wait3A_154 : memref<30000x128xf32, #tpu.memory_space<hbm>>) dst(%arg7 : memref<128x128xf32, #tpu.memory_space<vmem>>)
    %mul3A_155 = arith.constant 1024 : i32
    %mul3A_156 = arith.muli %add3A, %mul3A_155 : i32
    %add3A_157 = arith.constant 640 : i32
    %add3A_158 = arith.addi %mul3A_156, %add3A_157 : i32
    %dma_start3A_159 = arith.constant 0 : i32
    %dma_start3A_160 = tpu.memref_slice %arg4[%add3A_158, %dma_start3A_159] : memref<32768x128xf32, #tpu.memory_space<hbm>> -> memref<128x128xf32, #tpu.memory_space<hbm>>
    %dma_start3A_161 = arith.constant 0 : i32
    %dma_start3A_162 = tpu.memref_slice %arg4[%add3A_158, %dma_start3A_161] : memref<32768x128xf32, #tpu.memory_space<hbm>> -> memref<128x128xf32, #tpu.memory_space<hbm>>
    tpu.enqueue_dma source(%arg7 : memref<128x128xf32, #tpu.memory_space<vmem>>) target(%dma_start3A_162 : memref<128x128xf32, #tpu.memory_space<hbm>>) target_semaphore(%arg15 : memref<!tpu.dma_semaphore, #tpu.memory_space<semaphore_mem>>)
    %dma_wait3A_163 = arith.constant 6 : i32
    %dma_wait3A_164 = arith.constant 0 : i32
    %dma_wait3A_165 = tpu.memref_slice %arg5[%dma_wait3A_163, %dma_wait3A_164] : memref<8x128xi32, #tpu.memory_space<vmem>> -> memref<1x128xi32, #tpu.memory_space<vmem>>
    %dma_wait3A_166 = tpu.memref_squeeze %dma_wait3A_165 : memref<1x128xi32, #tpu.memory_space<vmem>> -> memref<128xi32, #tpu.memory_space<vmem>>
    %dma_wait3A_167 = arith.constant 0 : i32
    %dma_wait3A_168 = arith.constant 0 : i32
    %dma_wait3A_169 = tpu.memref_slice %arg2[%dma_wait3A_167, %dma_wait3A_168] : memref<30000x128xf32, #tpu.memory_space<hbm>> -> memref<30000x128xf32, #tpu.memory_space<hbm>>
    tpu.wait_indirect_dma semaphore(%arg12 : memref<!tpu.dma_semaphore, #tpu.memory_space<semaphore_mem>>) src(%dma_wait3A_169 : memref<30000x128xf32, #tpu.memory_space<hbm>>) dst(%arg8 : memref<128x128xf32, #tpu.memory_space<vmem>>)
    %mul3A_170 = arith.constant 1024 : i32
    %mul3A_171 = arith.muli %add3A, %mul3A_170 : i32
    %add3A_172 = arith.constant 768 : i32
    %add3A_173 = arith.addi %mul3A_171, %add3A_172 : i32
    %dma_start3A_174 = arith.constant 0 : i32
    %dma_start3A_175 = tpu.memref_slice %arg4[%add3A_173, %dma_start3A_174] : memref<32768x128xf32, #tpu.memory_space<hbm>> -> memref<128x128xf32, #tpu.memory_space<hbm>>
    %dma_start3A_176 = arith.constant 0 : i32
    %dma_start3A_177 = tpu.memref_slice %arg4[%add3A_173, %dma_start3A_176] : memref<32768x128xf32, #tpu.memory_space<hbm>> -> memref<128x128xf32, #tpu.memory_space<hbm>>
    tpu.enqueue_dma source(%arg8 : memref<128x128xf32, #tpu.memory_space<vmem>>) target(%dma_start3A_177 : memref<128x128xf32, #tpu.memory_space<hbm>>) target_semaphore(%arg16 : memref<!tpu.dma_semaphore, #tpu.memory_space<semaphore_mem>>)
    %dma_wait3A_178 = arith.constant 7 : i32
    %dma_wait3A_179 = arith.constant 0 : i32
    %dma_wait3A_180 = tpu.memref_slice %arg5[%dma_wait3A_178, %dma_wait3A_179] : memref<8x128xi32, #tpu.memory_space<vmem>> -> memref<1x128xi32, #tpu.memory_space<vmem>>
    %dma_wait3A_181 = tpu.memref_squeeze %dma_wait3A_180 : memref<1x128xi32, #tpu.memory_space<vmem>> -> memref<128xi32, #tpu.memory_space<vmem>>
    %dma_wait3A_182 = arith.constant 0 : i32
    %dma_wait3A_183 = arith.constant 0 : i32
    %dma_wait3A_184 = tpu.memref_slice %arg2[%dma_wait3A_182, %dma_wait3A_183] : memref<30000x128xf32, #tpu.memory_space<hbm>> -> memref<30000x128xf32, #tpu.memory_space<hbm>>
    tpu.wait_indirect_dma semaphore(%arg13 : memref<!tpu.dma_semaphore, #tpu.memory_space<semaphore_mem>>) src(%dma_wait3A_184 : memref<30000x128xf32, #tpu.memory_space<hbm>>) dst(%arg9 : memref<128x128xf32, #tpu.memory_space<vmem>>)
    %mul3A_185 = arith.constant 1024 : i32
    %mul3A_186 = arith.muli %add3A, %mul3A_185 : i32
    %add3A_187 = arith.constant 896 : i32
    %add3A_188 = arith.addi %mul3A_186, %add3A_187 : i32
    %dma_start3A_189 = arith.constant 0 : i32
    %dma_start3A_190 = tpu.memref_slice %arg4[%add3A_188, %dma_start3A_189] : memref<32768x128xf32, #tpu.memory_space<hbm>> -> memref<128x128xf32, #tpu.memory_space<hbm>>
    %dma_start3A_191 = arith.constant 0 : i32
    %dma_start3A_192 = tpu.memref_slice %arg4[%add3A_188, %dma_start3A_191] : memref<32768x128xf32, #tpu.memory_space<hbm>> -> memref<128x128xf32, #tpu.memory_space<hbm>>
    tpu.enqueue_dma source(%arg9 : memref<128x128xf32, #tpu.memory_space<vmem>>) target(%dma_start3A_192 : memref<128x128xf32, #tpu.memory_space<hbm>>) target_semaphore(%arg17 : memref<!tpu.dma_semaphore, #tpu.memory_space<semaphore_mem>>)
    %dma_wait3A_193 = arith.constant 0 : i32
    %dma_wait3A_194 = tpu.memref_slice %arg4[%add3A_143, %dma_wait3A_193] : memref<32768x128xf32, #tpu.memory_space<hbm>> -> memref<128x128xf32, #tpu.memory_space<hbm>>
    %dma_wait3A_195 = arith.constant 0 : i32
    %dma_wait3A_196 = tpu.memref_slice %arg4[%add3A_143, %dma_wait3A_195] : memref<32768x128xf32, #tpu.memory_space<hbm>> -> memref<128x128xf32, #tpu.memory_space<hbm>>
    tpu.wait_dma2 semaphore(%arg14 : memref<!tpu.dma_semaphore, #tpu.memory_space<semaphore_mem>>) src(%arg6 : memref<128x128xf32, #tpu.memory_space<vmem>>) dst(%dma_wait3A_196 : memref<128x128xf32, #tpu.memory_space<hbm>>)
    %dma_wait3A_197 = arith.constant 0 : i32
    %dma_wait3A_198 = tpu.memref_slice %arg4[%add3A_158, %dma_wait3A_197] : memref<32768x128xf32, #tpu.memory_space<hbm>> -> memref<128x128xf32, #tpu.memory_space<hbm>>
    %dma_wait3A_199 = arith.constant 0 : i32
    %dma_wait3A_200 = tpu.memref_slice %arg4[%add3A_158, %dma_wait3A_199] : memref<32768x128xf32, #tpu.memory_space<hbm>> -> memref<128x128xf32, #tpu.memory_space<hbm>>
    tpu.wait_dma2 semaphore(%arg15 : memref<!tpu.dma_semaphore, #tpu.memory_space<semaphore_mem>>) src(%arg7 : memref<128x128xf32, #tpu.memory_space<vmem>>) dst(%dma_wait3A_200 : memref<128x128xf32, #tpu.memory_space<hbm>>)
    %dma_wait3A_201 = arith.constant 0 : i32
    %dma_wait3A_202 = tpu.memref_slice %arg4[%add3A_173, %dma_wait3A_201] : memref<32768x128xf32, #tpu.memory_space<hbm>> -> memref<128x128xf32, #tpu.memory_space<hbm>>
    %dma_wait3A_203 = arith.constant 0 : i32
    %dma_wait3A_204 = tpu.memref_slice %arg4[%add3A_173, %dma_wait3A_203] : memref<32768x128xf32, #tpu.memory_space<hbm>> -> memref<128x128xf32, #tpu.memory_space<hbm>>
    tpu.wait_dma2 semaphore(%arg16 : memref<!tpu.dma_semaphore, #tpu.memory_space<semaphore_mem>>) src(%arg8 : memref<128x128xf32, #tpu.memory_space<vmem>>) dst(%dma_wait3A_204 : memref<128x128xf32, #tpu.memory_space<hbm>>)
    %dma_wait3A_205 = arith.constant 0 : i32
    %dma_wait3A_206 = tpu.memref_slice %arg4[%add3A_188, %dma_wait3A_205] : memref<32768x128xf32, #tpu.memory_space<hbm>> -> memref<128x128xf32, #tpu.memory_space<hbm>>
    %dma_wait3A_207 = arith.constant 0 : i32
    %dma_wait3A_208 = tpu.memref_slice %arg4[%add3A_188, %dma_wait3A_207] : memref<32768x128xf32, #tpu.memory_space<hbm>> -> memref<128x128xf32, #tpu.memory_space<hbm>>
    tpu.wait_dma2 semaphore(%arg17 : memref<!tpu.dma_semaphore, #tpu.memory_space<semaphore_mem>>) src(%arg9 : memref<128x128xf32, #tpu.memory_space<vmem>>) dst(%dma_wait3A_208 : memref<128x128xf32, #tpu.memory_space<hbm>>)
    return
  }
}

#map = affine_map<(d0, d1) -> (0, 0)>
module attributes {stable_mosaic.version = 14 : i64} {
  func.func @k(%arg0: i32, %arg1: i32, %arg2: memref<30000x128xf32, #tpu.memory_space<hbm>>, %arg3: memref<256x128xi32, #tpu.memory_space<hbm>>, %arg4: memref<32768x128xf32, #tpu.memory_space<hbm>>, %arg5: memref<8x128xi32, #tpu.memory_space<vmem>>, %arg6: memref<128x128xf32, #tpu.memory_space<vmem>>, %arg7: memref<128x128xf32, #tpu.memory_space<vmem>>, %arg8: memref<128x128xf32, #tpu.memory_space<vmem>>, %arg9: memref<128x128xf32, #tpu.memory_space<vmem>>, %arg10: memref<!tpu.dma_semaphore, #tpu.memory_space<semaphore_mem>>, %arg11: memref<!tpu.dma_semaphore, #tpu.memory_space<semaphore_mem>>, %arg12: memref<!tpu.dma_semaphore, #tpu.memory_space<semaphore_mem>>, %arg13: memref<!tpu.dma_semaphore, #tpu.memory_space<semaphore_mem>>, %arg14: memref<!tpu.dma_semaphore, #tpu.memory_space<semaphore_mem>>, %arg15: memref<!tpu.dma_semaphore, #tpu.memory_space<semaphore_mem>>, %arg16: memref<!tpu.dma_semaphore, #tpu.memory_space<semaphore_mem>>, %arg17: memref<!tpu.dma_semaphore, #tpu.memory_space<semaphore_mem>>) attributes {dimension_semantics = [#tpu.dimension_semantics<core_parallel>, #tpu.dimension_semantics<subcore_parallel>], iteration_bounds = array<i64: 2, 16>, scalar_prefetch = 0 : i64, scratch_operands = 13 : i64, tpu.core_type = #tpu.core_type<sc_vector_subcore>, window_params = [{transform_indices = #map}, {transform_indices = #map}, {transform_indices = #map}]} {
    %mul3A = arith.constant 2 : i32
    %mul3A_0 = arith.muli %arg1, %mul3A : i32
    %add3A = arith.addi %mul3A_0, %arg0 : i32
    %mul3A_1 = arith.constant 8 : i32
    %mul3A_2 = arith.muli %add3A, %mul3A_1 : i32
    "tpu.region"() ({
      %run_scoped3A = tpu.sem_alloc : memref<!tpu.dma_semaphore, #tpu.memory_space<semaphore_mem>>
      %dma_start3A_209 = arith.constant 0 : i32
      %dma_start3A_210 = tpu.memref_slice %arg3[%mul3A_2, %dma_start3A_209] : memref<256x128xi32, #tpu.memory_space<hbm>> -> memref<8x128xi32, #tpu.memory_space<hbm>>
      %dma_start3A_211 = arith.constant 0 : i32
      %dma_start3A_212 = tpu.memref_slice %arg3[%mul3A_2, %dma_start3A_211] : memref<256x128xi32, #tpu.memory_space<hbm>> -> memref<8x128xi32, #tpu.memory_space<hbm>>
      tpu.enqueue_dma source(%dma_start3A_212 : memref<8x128xi32, #tpu.memory_space<hbm>>) target(%arg5 : memref<8x128xi32, #tpu.memory_space<vmem>>) target_semaphore(%run_scoped3A : memref<!tpu.dma_semaphore, #tpu.memory_space<semaphore_mem>>)
      %dma_wait3A_213 = arith.constant 0 : i32
      %dma_wait3A_214 = tpu.memref_slice %arg3[%mul3A_2, %dma_wait3A_213] : memref<256x128xi32, #tpu.memory_space<hbm>> -> memref<8x128xi32, #tpu.memory_space<hbm>>
      %dma_wait3A_215 = arith.constant 0 : i32
      %dma_wait3A_216 = tpu.memref_slice %arg3[%mul3A_2, %dma_wait3A_215] : memref<256x128xi32, #tpu.memory_space<hbm>> -> memref<8x128xi32, #tpu.memory_space<hbm>>
      tpu.wait_dma2 semaphore(%run_scoped3A : memref<!tpu.dma_semaphore, #tpu.memory_space<semaphore_mem>>) src(%dma_wait3A_216 : memref<8x128xi32, #tpu.memory_space<hbm>>) dst(%arg5 : memref<8x128xi32, #tpu.memory_space<vmem>>)
      tpu.yield
    }) : () -> ()
    %dma_start3A = arith.constant 0 : i32
    %dma_start3A_3 = arith.constant 0 : i32
    %dma_start3A_4 = tpu.memref_slice %arg5[%dma_start3A, %dma_start3A_3] : memref<8x128xi32, #tpu.memory_space<vmem>> -> memref<1x128xi32, #tpu.memory_space<vmem>>
    %dma_start3A_5 = tpu.memref_squeeze %dma_start3A_4 : memref<1x128xi32, #tpu.memory_space<vmem>> -> memref<128xi32, #tpu.memory_space<vmem>>
    %dma_start3A_6 = arith.constant 0 : i32
    %dma_start3A_7 = arith.constant 0 : i32
    %dma_start3A_8 = tpu.memref_slice %arg2[%dma_start3A_6, %dma_start3A_7] : memref<30000x128xf32, #tpu.memory_space<hbm>> -> memref<30000x128xf32, #tpu.memory_space<hbm>>
    tpu.enqueue_indirect_dma source(%dma_start3A_8 : memref<30000x128xf32, #tpu.memory_space<hbm>>) target(%arg6 : memref<128x128xf32, #tpu.memory_space<vmem>>) offsets(%dma_start3A_5 : memref<128xi32, #tpu.memory_space<vmem>>) semaphore(%arg10 : memref<!tpu.dma_semaphore, #tpu.memory_space<semaphore_mem>>)
    %dma_start3A_9 = arith.constant 1 : i32
    %dma_start3A_10 = arith.constant 0 : i32
    %dma_start3A_11 = tpu.memref_slice %arg5[%dma_start3A_9, %dma_start3A_10] : memref<8x128xi32, #tpu.memory_space<vmem>> -> memref<1x128xi32, #tpu.memory_space<vmem>>
    %dma_start3A_12 = tpu.memref_squeeze %dma_start3A_11 : memref<1x128xi32, #tpu.memory_space<vmem>> -> memref<128xi32, #tpu.memory_space<vmem>>
    %dma_start3A_13 = arith.constant 0 : i32
    %dma_start3A_14 = arith.constant 0 : i32
    %dma_start3A_15 = tpu.memref_slice %arg2[%dma_start3A_13, %dma_start3A_14] : memref<30000x128xf32, #tpu.memory_space<hbm>> -> memref<30000x128xf32, #tpu.memory_space<hbm>>
    tpu.enqueue_indirect_dma source(%dma_start3A_15 : memref<30000x128xf32, #tpu.memory_space<hbm>>) target(%arg7 : memref<128x128xf32, #tpu.memory_space<vmem>>) offsets(%dma_start3A_12 : memref<128xi32, #tpu.memory_space<vmem>>) semaphore(%arg11 : memref<!tpu.dma_semaphore, #tpu.memory_space<semaphore_mem>>)
    %dma_start3A_16 = arith.constant 2 : i32
    %dma_start3A_17 = arith.constant 0 : i32
    %dma_start3A_18 = tpu.memref_slice %arg5[%dma_start3A_16, %dma_start3A_17] : memref<8x128xi32, #tpu.memory_space<vmem>> -> memref<1x128xi32, #tpu.memory_space<vmem>>
    %dma_start3A_19 = tpu.memref_squeeze %dma_start3A_18 : memref<1x128xi32, #tpu.memory_space<vmem>> -> memref<128xi32, #tpu.memory_space<vmem>>
    %dma_start3A_20 = arith.constant 0 : i32
    %dma_start3A_21 = arith.constant 0 : i32
    %dma_start3A_22 = tpu.memref_slice %arg2[%dma_start3A_20, %dma_start3A_21] : memref<30000x128xf32, #tpu.memory_space<hbm>> -> memref<30000x128xf32, #tpu.memory_space<hbm>>
    tpu.enqueue_indirect_dma source(%dma_start3A_22 : memref<30000x128xf32, #tpu.memory_space<hbm>>) target(%arg8 : memref<128x128xf32, #tpu.memory_space<vmem>>) offsets(%dma_start3A_19 : memref<128xi32, #tpu.memory_space<vmem>>) semaphore(%arg12 : memref<!tpu.dma_semaphore, #tpu.memory_space<semaphore_mem>>)
    %dma_start3A_23 = arith.constant 3 : i32
    %dma_start3A_24 = arith.constant 0 : i32
    %dma_start3A_25 = tpu.memref_slice %arg5[%dma_start3A_23, %dma_start3A_24] : memref<8x128xi32, #tpu.memory_space<vmem>> -> memref<1x128xi32, #tpu.memory_space<vmem>>
    %dma_start3A_26 = tpu.memref_squeeze %dma_start3A_25 : memref<1x128xi32, #tpu.memory_space<vmem>> -> memref<128xi32, #tpu.memory_space<vmem>>
    %dma_start3A_27 = arith.constant 0 : i32
    %dma_start3A_28 = arith.constant 0 : i32
    %dma_start3A_29 = tpu.memref_slice %arg2[%dma_start3A_27, %dma_start3A_28] : memref<30000x128xf32, #tpu.memory_space<hbm>> -> memref<30000x128xf32, #tpu.memory_space<hbm>>
    tpu.enqueue_indirect_dma source(%dma_start3A_29 : memref<30000x128xf32, #tpu.memory_space<hbm>>) target(%arg9 : memref<128x128xf32, #tpu.memory_space<vmem>>) offsets(%dma_start3A_26 : memref<128xi32, #tpu.memory_space<vmem>>) semaphore(%arg13 : memref<!tpu.dma_semaphore, #tpu.memory_space<semaphore_mem>>)
    %dma_wait3A = arith.constant 0 : i32
    %dma_wait3A_30 = arith.constant 0 : i32
    %dma_wait3A_31 = tpu.memref_slice %arg5[%dma_wait3A, %dma_wait3A_30] : memref<8x128xi32, #tpu.memory_space<vmem>> -> memref<1x128xi32, #tpu.memory_space<vmem>>
    %dma_wait3A_32 = tpu.memref_squeeze %dma_wait3A_31 : memref<1x128xi32, #tpu.memory_space<vmem>> -> memref<128xi32, #tpu.memory_space<vmem>>
    %dma_wait3A_33 = arith.constant 0 : i32
    %dma_wait3A_34 = arith.constant 0 : i32
    %dma_wait3A_35 = tpu.memref_slice %arg2[%dma_wait3A_33, %dma_wait3A_34] : memref<30000x128xf32, #tpu.memory_space<hbm>> -> memref<30000x128xf32, #tpu.memory_space<hbm>>
    tpu.wait_indirect_dma semaphore(%arg10 : memref<!tpu.dma_semaphore, #tpu.memory_space<semaphore_mem>>) src(%dma_wait3A_35 : memref<30000x128xf32, #tpu.memory_space<hbm>>) dst(%arg6 : memref<128x128xf32, #tpu.memory_space<vmem>>)
    %mul3A_36 = arith.constant 1024 : i32
    %mul3A_37 = arith.muli %add3A, %mul3A_36 : i32
    %add3A_38 = arith.constant 0 : i32
    %add3A_39 = arith.addi %mul3A_37, %add3A_38 : i32
    %dma_start3A_40 = arith.constant 0 : i32
    %dma_start3A_41 = tpu.memref_slice %arg4[%add3A_39, %dma_start3A_40] : memref<32768x128xf32, #tpu.memory_space<hbm>> -> memref<128x128xf32, #tpu.memory_space<hbm>>
    %dma_start3A_42 = arith.constant 0 : i32
    %dma_start3A_43 = tpu.memref_slice %arg4[%add3A_39, %dma_start3A_42] : memref<32768x128xf32, #tpu.memory_space<hbm>> -> memref<128x128xf32, #tpu.memory_space<hbm>>
    tpu.enqueue_dma source(%arg6 : memref<128x128xf32, #tpu.memory_space<vmem>>) target(%dma_start3A_43 : memref<128x128xf32, #tpu.memory_space<hbm>>) target_semaphore(%arg14 : memref<!tpu.dma_semaphore, #tpu.memory_space<semaphore_mem>>)
    %dma_wait3A_44 = arith.constant 0 : i32
    %dma_wait3A_45 = tpu.memref_slice %arg4[%add3A_39, %dma_wait3A_44] : memref<32768x128xf32, #tpu.memory_space<hbm>> -> memref<128x128xf32, #tpu.memory_space<hbm>>
    %dma_wait3A_46 = arith.constant 0 : i32
    %dma_wait3A_47 = tpu.memref_slice %arg4[%add3A_39, %dma_wait3A_46] : memref<32768x128xf32, #tpu.memory_space<hbm>> -> memref<128x128xf32, #tpu.memory_space<hbm>>
    tpu.wait_dma2 semaphore(%arg14 : memref<!tpu.dma_semaphore, #tpu.memory_space<semaphore_mem>>) src(%arg6 : memref<128x128xf32, #tpu.memory_space<vmem>>) dst(%dma_wait3A_47 : memref<128x128xf32, #tpu.memory_space<hbm>>)
    %dma_start3A_48 = arith.constant 4 : i32
    %dma_start3A_49 = arith.constant 0 : i32
    %dma_start3A_50 = tpu.memref_slice %arg5[%dma_start3A_48, %dma_start3A_49] : memref<8x128xi32, #tpu.memory_space<vmem>> -> memref<1x128xi32, #tpu.memory_space<vmem>>
    %dma_start3A_51 = tpu.memref_squeeze %dma_start3A_50 : memref<1x128xi32, #tpu.memory_space<vmem>> -> memref<128xi32, #tpu.memory_space<vmem>>
    %dma_start3A_52 = arith.constant 0 : i32
    %dma_start3A_53 = arith.constant 0 : i32
    %dma_start3A_54 = tpu.memref_slice %arg2[%dma_start3A_52, %dma_start3A_53] : memref<30000x128xf32, #tpu.memory_space<hbm>> -> memref<30000x128xf32, #tpu.memory_space<hbm>>
    tpu.enqueue_indirect_dma source(%dma_start3A_54 : memref<30000x128xf32, #tpu.memory_space<hbm>>) target(%arg6 : memref<128x128xf32, #tpu.memory_space<vmem>>) offsets(%dma_start3A_51 : memref<128xi32, #tpu.memory_space<vmem>>) semaphore(%arg10 : memref<!tpu.dma_semaphore, #tpu.memory_space<semaphore_mem>>)
    %dma_wait3A_55 = arith.constant 1 : i32
    %dma_wait3A_56 = arith.constant 0 : i32
    %dma_wait3A_57 = tpu.memref_slice %arg5[%dma_wait3A_55, %dma_wait3A_56] : memref<8x128xi32, #tpu.memory_space<vmem>> -> memref<1x128xi32, #tpu.memory_space<vmem>>
    %dma_wait3A_58 = tpu.memref_squeeze %dma_wait3A_57 : memref<1x128xi32, #tpu.memory_space<vmem>> -> memref<128xi32, #tpu.memory_space<vmem>>
    %dma_wait3A_59 = arith.constant 0 : i32
    %dma_wait3A_60 = arith.constant 0 : i32
    %dma_wait3A_61 = tpu.memref_slice %arg2[%dma_wait3A_59, %dma_wait3A_60] : memref<30000x128xf32, #tpu.memory_space<hbm>> -> memref<30000x128xf32, #tpu.memory_space<hbm>>
    tpu.wait_indirect_dma semaphore(%arg11 : memref<!tpu.dma_semaphore, #tpu.memory_space<semaphore_mem>>) src(%dma_wait3A_61 : memref<30000x128xf32, #tpu.memory_space<hbm>>) dst(%arg7 : memref<128x128xf32, #tpu.memory_space<vmem>>)
    %mul3A_62 = arith.constant 1024 : i32
    %mul3A_63 = arith.muli %add3A, %mul3A_62 : i32
    %add3A_64 = arith.constant 128 : i32
    %add3A_65 = arith.addi %mul3A_63, %add3A_64 : i32
    %dma_start3A_66 = arith.constant 0 : i32
    %dma_start3A_67 = tpu.memref_slice %arg4[%add3A_65, %dma_start3A_66] : memref<32768x128xf32, #tpu.memory_space<hbm>> -> memref<128x128xf32, #tpu.memory_space<hbm>>
    %dma_start3A_68 = arith.constant 0 : i32
    %dma_start3A_69 = tpu.memref_slice %arg4[%add3A_65, %dma_start3A_68] : memref<32768x128xf32, #tpu.memory_space<hbm>> -> memref<128x128xf32, #tpu.memory_space<hbm>>
    tpu.enqueue_dma source(%arg7 : memref<128x128xf32, #tpu.memory_space<vmem>>) target(%dma_start3A_69 : memref<128x128xf32, #tpu.memory_space<hbm>>) target_semaphore(%arg15 : memref<!tpu.dma_semaphore, #tpu.memory_space<semaphore_mem>>)
    %dma_wait3A_70 = arith.constant 0 : i32
    %dma_wait3A_71 = tpu.memref_slice %arg4[%add3A_65, %dma_wait3A_70] : memref<32768x128xf32, #tpu.memory_space<hbm>> -> memref<128x128xf32, #tpu.memory_space<hbm>>
    %dma_wait3A_72 = arith.constant 0 : i32
    %dma_wait3A_73 = tpu.memref_slice %arg4[%add3A_65, %dma_wait3A_72] : memref<32768x128xf32, #tpu.memory_space<hbm>> -> memref<128x128xf32, #tpu.memory_space<hbm>>
    tpu.wait_dma2 semaphore(%arg15 : memref<!tpu.dma_semaphore, #tpu.memory_space<semaphore_mem>>) src(%arg7 : memref<128x128xf32, #tpu.memory_space<vmem>>) dst(%dma_wait3A_73 : memref<128x128xf32, #tpu.memory_space<hbm>>)
    %dma_start3A_74 = arith.constant 5 : i32
    %dma_start3A_75 = arith.constant 0 : i32
    %dma_start3A_76 = tpu.memref_slice %arg5[%dma_start3A_74, %dma_start3A_75] : memref<8x128xi32, #tpu.memory_space<vmem>> -> memref<1x128xi32, #tpu.memory_space<vmem>>
    %dma_start3A_77 = tpu.memref_squeeze %dma_start3A_76 : memref<1x128xi32, #tpu.memory_space<vmem>> -> memref<128xi32, #tpu.memory_space<vmem>>
    %dma_start3A_78 = arith.constant 0 : i32
    %dma_start3A_79 = arith.constant 0 : i32
    %dma_start3A_80 = tpu.memref_slice %arg2[%dma_start3A_78, %dma_start3A_79] : memref<30000x128xf32, #tpu.memory_space<hbm>> -> memref<30000x128xf32, #tpu.memory_space<hbm>>
    tpu.enqueue_indirect_dma source(%dma_start3A_80 : memref<30000x128xf32, #tpu.memory_space<hbm>>) target(%arg7 : memref<128x128xf32, #tpu.memory_space<vmem>>) offsets(%dma_start3A_77 : memref<128xi32, #tpu.memory_space<vmem>>) semaphore(%arg11 : memref<!tpu.dma_semaphore, #tpu.memory_space<semaphore_mem>>)
    %dma_wait3A_81 = arith.constant 2 : i32
    %dma_wait3A_82 = arith.constant 0 : i32
    %dma_wait3A_83 = tpu.memref_slice %arg5[%dma_wait3A_81, %dma_wait3A_82] : memref<8x128xi32, #tpu.memory_space<vmem>> -> memref<1x128xi32, #tpu.memory_space<vmem>>
    %dma_wait3A_84 = tpu.memref_squeeze %dma_wait3A_83 : memref<1x128xi32, #tpu.memory_space<vmem>> -> memref<128xi32, #tpu.memory_space<vmem>>
    %dma_wait3A_85 = arith.constant 0 : i32
    %dma_wait3A_86 = arith.constant 0 : i32
    %dma_wait3A_87 = tpu.memref_slice %arg2[%dma_wait3A_85, %dma_wait3A_86] : memref<30000x128xf32, #tpu.memory_space<hbm>> -> memref<30000x128xf32, #tpu.memory_space<hbm>>
    tpu.wait_indirect_dma semaphore(%arg12 : memref<!tpu.dma_semaphore, #tpu.memory_space<semaphore_mem>>) src(%dma_wait3A_87 : memref<30000x128xf32, #tpu.memory_space<hbm>>) dst(%arg8 : memref<128x128xf32, #tpu.memory_space<vmem>>)
    %mul3A_88 = arith.constant 1024 : i32
    %mul3A_89 = arith.muli %add3A, %mul3A_88 : i32
    %add3A_90 = arith.constant 256 : i32
    %add3A_91 = arith.addi %mul3A_89, %add3A_90 : i32
    %dma_start3A_92 = arith.constant 0 : i32
    %dma_start3A_93 = tpu.memref_slice %arg4[%add3A_91, %dma_start3A_92] : memref<32768x128xf32, #tpu.memory_space<hbm>> -> memref<128x128xf32, #tpu.memory_space<hbm>>
    %dma_start3A_94 = arith.constant 0 : i32
    %dma_start3A_95 = tpu.memref_slice %arg4[%add3A_91, %dma_start3A_94] : memref<32768x128xf32, #tpu.memory_space<hbm>> -> memref<128x128xf32, #tpu.memory_space<hbm>>
    tpu.enqueue_dma source(%arg8 : memref<128x128xf32, #tpu.memory_space<vmem>>) target(%dma_start3A_95 : memref<128x128xf32, #tpu.memory_space<hbm>>) target_semaphore(%arg16 : memref<!tpu.dma_semaphore, #tpu.memory_space<semaphore_mem>>)
    %dma_wait3A_96 = arith.constant 0 : i32
    %dma_wait3A_97 = tpu.memref_slice %arg4[%add3A_91, %dma_wait3A_96] : memref<32768x128xf32, #tpu.memory_space<hbm>> -> memref<128x128xf32, #tpu.memory_space<hbm>>
    %dma_wait3A_98 = arith.constant 0 : i32
    %dma_wait3A_99 = tpu.memref_slice %arg4[%add3A_91, %dma_wait3A_98] : memref<32768x128xf32, #tpu.memory_space<hbm>> -> memref<128x128xf32, #tpu.memory_space<hbm>>
    tpu.wait_dma2 semaphore(%arg16 : memref<!tpu.dma_semaphore, #tpu.memory_space<semaphore_mem>>) src(%arg8 : memref<128x128xf32, #tpu.memory_space<vmem>>) dst(%dma_wait3A_99 : memref<128x128xf32, #tpu.memory_space<hbm>>)
    %dma_start3A_100 = arith.constant 6 : i32
    %dma_start3A_101 = arith.constant 0 : i32
    %dma_start3A_102 = tpu.memref_slice %arg5[%dma_start3A_100, %dma_start3A_101] : memref<8x128xi32, #tpu.memory_space<vmem>> -> memref<1x128xi32, #tpu.memory_space<vmem>>
    %dma_start3A_103 = tpu.memref_squeeze %dma_start3A_102 : memref<1x128xi32, #tpu.memory_space<vmem>> -> memref<128xi32, #tpu.memory_space<vmem>>
    %dma_start3A_104 = arith.constant 0 : i32
    %dma_start3A_105 = arith.constant 0 : i32
    %dma_start3A_106 = tpu.memref_slice %arg2[%dma_start3A_104, %dma_start3A_105] : memref<30000x128xf32, #tpu.memory_space<hbm>> -> memref<30000x128xf32, #tpu.memory_space<hbm>>
    tpu.enqueue_indirect_dma source(%dma_start3A_106 : memref<30000x128xf32, #tpu.memory_space<hbm>>) target(%arg8 : memref<128x128xf32, #tpu.memory_space<vmem>>) offsets(%dma_start3A_103 : memref<128xi32, #tpu.memory_space<vmem>>) semaphore(%arg12 : memref<!tpu.dma_semaphore, #tpu.memory_space<semaphore_mem>>)
    %dma_wait3A_107 = arith.constant 3 : i32
    %dma_wait3A_108 = arith.constant 0 : i32
    %dma_wait3A_109 = tpu.memref_slice %arg5[%dma_wait3A_107, %dma_wait3A_108] : memref<8x128xi32, #tpu.memory_space<vmem>> -> memref<1x128xi32, #tpu.memory_space<vmem>>
    %dma_wait3A_110 = tpu.memref_squeeze %dma_wait3A_109 : memref<1x128xi32, #tpu.memory_space<vmem>> -> memref<128xi32, #tpu.memory_space<vmem>>
    %dma_wait3A_111 = arith.constant 0 : i32
    %dma_wait3A_112 = arith.constant 0 : i32
    %dma_wait3A_113 = tpu.memref_slice %arg2[%dma_wait3A_111, %dma_wait3A_112] : memref<30000x128xf32, #tpu.memory_space<hbm>> -> memref<30000x128xf32, #tpu.memory_space<hbm>>
    tpu.wait_indirect_dma semaphore(%arg13 : memref<!tpu.dma_semaphore, #tpu.memory_space<semaphore_mem>>) src(%dma_wait3A_113 : memref<30000x128xf32, #tpu.memory_space<hbm>>) dst(%arg9 : memref<128x128xf32, #tpu.memory_space<vmem>>)
    %mul3A_114 = arith.constant 1024 : i32
    %mul3A_115 = arith.muli %add3A, %mul3A_114 : i32
    %add3A_116 = arith.constant 384 : i32
    %add3A_117 = arith.addi %mul3A_115, %add3A_116 : i32
    %dma_start3A_118 = arith.constant 0 : i32
    %dma_start3A_119 = tpu.memref_slice %arg4[%add3A_117, %dma_start3A_118] : memref<32768x128xf32, #tpu.memory_space<hbm>> -> memref<128x128xf32, #tpu.memory_space<hbm>>
    %dma_start3A_120 = arith.constant 0 : i32
    %dma_start3A_121 = tpu.memref_slice %arg4[%add3A_117, %dma_start3A_120] : memref<32768x128xf32, #tpu.memory_space<hbm>> -> memref<128x128xf32, #tpu.memory_space<hbm>>
    tpu.enqueue_dma source(%arg9 : memref<128x128xf32, #tpu.memory_space<vmem>>) target(%dma_start3A_121 : memref<128x128xf32, #tpu.memory_space<hbm>>) target_semaphore(%arg17 : memref<!tpu.dma_semaphore, #tpu.memory_space<semaphore_mem>>)
    %dma_wait3A_122 = arith.constant 0 : i32
    %dma_wait3A_123 = tpu.memref_slice %arg4[%add3A_117, %dma_wait3A_122] : memref<32768x128xf32, #tpu.memory_space<hbm>> -> memref<128x128xf32, #tpu.memory_space<hbm>>
    %dma_wait3A_124 = arith.constant 0 : i32
    %dma_wait3A_125 = tpu.memref_slice %arg4[%add3A_117, %dma_wait3A_124] : memref<32768x128xf32, #tpu.memory_space<hbm>> -> memref<128x128xf32, #tpu.memory_space<hbm>>
    tpu.wait_dma2 semaphore(%arg17 : memref<!tpu.dma_semaphore, #tpu.memory_space<semaphore_mem>>) src(%arg9 : memref<128x128xf32, #tpu.memory_space<vmem>>) dst(%dma_wait3A_125 : memref<128x128xf32, #tpu.memory_space<hbm>>)
    %dma_start3A_126 = arith.constant 7 : i32
    %dma_start3A_127 = arith.constant 0 : i32
    %dma_start3A_128 = tpu.memref_slice %arg5[%dma_start3A_126, %dma_start3A_127] : memref<8x128xi32, #tpu.memory_space<vmem>> -> memref<1x128xi32, #tpu.memory_space<vmem>>
    %dma_start3A_129 = tpu.memref_squeeze %dma_start3A_128 : memref<1x128xi32, #tpu.memory_space<vmem>> -> memref<128xi32, #tpu.memory_space<vmem>>
    %dma_start3A_130 = arith.constant 0 : i32
    %dma_start3A_131 = arith.constant 0 : i32
    %dma_start3A_132 = tpu.memref_slice %arg2[%dma_start3A_130, %dma_start3A_131] : memref<30000x128xf32, #tpu.memory_space<hbm>> -> memref<30000x128xf32, #tpu.memory_space<hbm>>
    tpu.enqueue_indirect_dma source(%dma_start3A_132 : memref<30000x128xf32, #tpu.memory_space<hbm>>) target(%arg9 : memref<128x128xf32, #tpu.memory_space<vmem>>) offsets(%dma_start3A_129 : memref<128xi32, #tpu.memory_space<vmem>>) semaphore(%arg13 : memref<!tpu.dma_semaphore, #tpu.memory_space<semaphore_mem>>)
    %dma_wait3A_133 = arith.constant 4 : i32
    %dma_wait3A_134 = arith.constant 0 : i32
    %dma_wait3A_135 = tpu.memref_slice %arg5[%dma_wait3A_133, %dma_wait3A_134] : memref<8x128xi32, #tpu.memory_space<vmem>> -> memref<1x128xi32, #tpu.memory_space<vmem>>
    %dma_wait3A_136 = tpu.memref_squeeze %dma_wait3A_135 : memref<1x128xi32, #tpu.memory_space<vmem>> -> memref<128xi32, #tpu.memory_space<vmem>>
    %dma_wait3A_137 = arith.constant 0 : i32
    %dma_wait3A_138 = arith.constant 0 : i32
    %dma_wait3A_139 = tpu.memref_slice %arg2[%dma_wait3A_137, %dma_wait3A_138] : memref<30000x128xf32, #tpu.memory_space<hbm>> -> memref<30000x128xf32, #tpu.memory_space<hbm>>
    tpu.wait_indirect_dma semaphore(%arg10 : memref<!tpu.dma_semaphore, #tpu.memory_space<semaphore_mem>>) src(%dma_wait3A_139 : memref<30000x128xf32, #tpu.memory_space<hbm>>) dst(%arg6 : memref<128x128xf32, #tpu.memory_space<vmem>>)
    %mul3A_140 = arith.constant 1024 : i32
    %mul3A_141 = arith.muli %add3A, %mul3A_140 : i32
    %add3A_142 = arith.constant 512 : i32
    %add3A_143 = arith.addi %mul3A_141, %add3A_142 : i32
    %dma_start3A_144 = arith.constant 0 : i32
    %dma_start3A_145 = tpu.memref_slice %arg4[%add3A_143, %dma_start3A_144] : memref<32768x128xf32, #tpu.memory_space<hbm>> -> memref<128x128xf32, #tpu.memory_space<hbm>>
    %dma_start3A_146 = arith.constant 0 : i32
    %dma_start3A_147 = tpu.memref_slice %arg4[%add3A_143, %dma_start3A_146] : memref<32768x128xf32, #tpu.memory_space<hbm>> -> memref<128x128xf32, #tpu.memory_space<hbm>>
    tpu.enqueue_dma source(%arg6 : memref<128x128xf32, #tpu.memory_space<vmem>>) target(%dma_start3A_147 : memref<128x128xf32, #tpu.memory_space<hbm>>) target_semaphore(%arg14 : memref<!tpu.dma_semaphore, #tpu.memory_space<semaphore_mem>>)
    %dma_wait3A_148 = arith.constant 5 : i32
    %dma_wait3A_149 = arith.constant 0 : i32
    %dma_wait3A_150 = tpu.memref_slice %arg5[%dma_wait3A_148, %dma_wait3A_149] : memref<8x128xi32, #tpu.memory_space<vmem>> -> memref<1x128xi32, #tpu.memory_space<vmem>>
    %dma_wait3A_151 = tpu.memref_squeeze %dma_wait3A_150 : memref<1x128xi32, #tpu.memory_space<vmem>> -> memref<128xi32, #tpu.memory_space<vmem>>
    %dma_wait3A_152 = arith.constant 0 : i32
    %dma_wait3A_153 = arith.constant 0 : i32
    %dma_wait3A_154 = tpu.memref_slice %arg2[%dma_wait3A_152, %dma_wait3A_153] : memref<30000x128xf32, #tpu.memory_space<hbm>> -> memref<30000x128xf32, #tpu.memory_space<hbm>>
    tpu.wait_indirect_dma semaphore(%arg11 : memref<!tpu.dma_semaphore, #tpu.memory_space<semaphore_mem>>) src(%dma_wait3A_154 : memref<30000x128xf32, #tpu.memory_space<hbm>>) dst(%arg7 : memref<128x128xf32, #tpu.memory_space<vmem>>)
    %mul3A_155 = arith.constant 1024 : i32
    %mul3A_156 = arith.muli %add3A, %mul3A_155 : i32
    %add3A_157 = arith.constant 640 : i32
    %add3A_158 = arith.addi %mul3A_156, %add3A_157 : i32
    %dma_start3A_159 = arith.constant 0 : i32
    %dma_start3A_160 = tpu.memref_slice %arg4[%add3A_158, %dma_start3A_159] : memref<32768x128xf32, #tpu.memory_space<hbm>> -> memref<128x128xf32, #tpu.memory_space<hbm>>
    %dma_start3A_161 = arith.constant 0 : i32
    %dma_start3A_162 = tpu.memref_slice %arg4[%add3A_158, %dma_start3A_161] : memref<32768x128xf32, #tpu.memory_space<hbm>> -> memref<128x128xf32, #tpu.memory_space<hbm>>
    tpu.enqueue_dma source(%arg7 : memref<128x128xf32, #tpu.memory_space<vmem>>) target(%dma_start3A_162 : memref<128x128xf32, #tpu.memory_space<hbm>>) target_semaphore(%arg15 : memref<!tpu.dma_semaphore, #tpu.memory_space<semaphore_mem>>)
    %dma_wait3A_163 = arith.constant 6 : i32
    %dma_wait3A_164 = arith.constant 0 : i32
    %dma_wait3A_165 = tpu.memref_slice %arg5[%dma_wait3A_163, %dma_wait3A_164] : memref<8x128xi32, #tpu.memory_space<vmem>> -> memref<1x128xi32, #tpu.memory_space<vmem>>
    %dma_wait3A_166 = tpu.memref_squeeze %dma_wait3A_165 : memref<1x128xi32, #tpu.memory_space<vmem>> -> memref<128xi32, #tpu.memory_space<vmem>>
    %dma_wait3A_167 = arith.constant 0 : i32
    %dma_wait3A_168 = arith.constant 0 : i32
    %dma_wait3A_169 = tpu.memref_slice %arg2[%dma_wait3A_167, %dma_wait3A_168] : memref<30000x128xf32, #tpu.memory_space<hbm>> -> memref<30000x128xf32, #tpu.memory_space<hbm>>
    tpu.wait_indirect_dma semaphore(%arg12 : memref<!tpu.dma_semaphore, #tpu.memory_space<semaphore_mem>>) src(%dma_wait3A_169 : memref<30000x128xf32, #tpu.memory_space<hbm>>) dst(%arg8 : memref<128x128xf32, #tpu.memory_space<vmem>>)
    %mul3A_170 = arith.constant 1024 : i32
    %mul3A_171 = arith.muli %add3A, %mul3A_170 : i32
    %add3A_172 = arith.constant 768 : i32
    %add3A_173 = arith.addi %mul3A_171, %add3A_172 : i32
    %dma_start3A_174 = arith.constant 0 : i32
    %dma_start3A_175 = tpu.memref_slice %arg4[%add3A_173, %dma_start3A_174] : memref<32768x128xf32, #tpu.memory_space<hbm>> -> memref<128x128xf32, #tpu.memory_space<hbm>>
    %dma_start3A_176 = arith.constant 0 : i32
    %dma_start3A_177 = tpu.memref_slice %arg4[%add3A_173, %dma_start3A_176] : memref<32768x128xf32, #tpu.memory_space<hbm>> -> memref<128x128xf32, #tpu.memory_space<hbm>>
    tpu.enqueue_dma source(%arg8 : memref<128x128xf32, #tpu.memory_space<vmem>>) target(%dma_start3A_177 : memref<128x128xf32, #tpu.memory_space<hbm>>) target_semaphore(%arg16 : memref<!tpu.dma_semaphore, #tpu.memory_space<semaphore_mem>>)
    %dma_wait3A_178 = arith.constant 7 : i32
    %dma_wait3A_179 = arith.constant 0 : i32
    %dma_wait3A_180 = tpu.memref_slice %arg5[%dma_wait3A_178, %dma_wait3A_179] : memref<8x128xi32, #tpu.memory_space<vmem>> -> memref<1x128xi32, #tpu.memory_space<vmem>>
    %dma_wait3A_181 = tpu.memref_squeeze %dma_wait3A_180 : memref<1x128xi32, #tpu.memory_space<vmem>> -> memref<128xi32, #tpu.memory_space<vmem>>
    %dma_wait3A_182 = arith.constant 0 : i32
    %dma_wait3A_183 = arith.constant 0 : i32
    %dma_wait3A_184 = tpu.memref_slice %arg2[%dma_wait3A_182, %dma_wait3A_183] : memref<30000x128xf32, #tpu.memory_space<hbm>> -> memref<30000x128xf32, #tpu.memory_space<hbm>>
    tpu.wait_indirect_dma semaphore(%arg13 : memref<!tpu.dma_semaphore, #tpu.memory_space<semaphore_mem>>) src(%dma_wait3A_184 : memref<30000x128xf32, #tpu.memory_space<hbm>>) dst(%arg9 : memref<128x128xf32, #tpu.memory_space<vmem>>)
    %mul3A_185 = arith.constant 1024 : i32
    %mul3A_186 = arith.muli %add3A, %mul3A_185 : i32
    %add3A_187 = arith.constant 896 : i32
    %add3A_188 = arith.addi %mul3A_186, %add3A_187 : i32
    %dma_start3A_189 = arith.constant 0 : i32
    %dma_start3A_190 = tpu.memref_slice %arg4[%add3A_188, %dma_start3A_189] : memref<32768x128xf32, #tpu.memory_space<hbm>> -> memref<128x128xf32, #tpu.memory_space<hbm>>
    %dma_start3A_191 = arith.constant 0 : i32
    %dma_start3A_192 = tpu.memref_slice %arg4[%add3A_188, %dma_start3A_191] : memref<32768x128xf32, #tpu.memory_space<hbm>> -> memref<128x128xf32, #tpu.memory_space<hbm>>
    tpu.enqueue_dma source(%arg9 : memref<128x128xf32, #tpu.memory_space<vmem>>) target(%dma_start3A_192 : memref<128x128xf32, #tpu.memory_space<hbm>>) target_semaphore(%arg17 : memref<!tpu.dma_semaphore, #tpu.memory_space<semaphore_mem>>)
    %dma_wait3A_193 = arith.constant 0 : i32
    %dma_wait3A_194 = tpu.memref_slice %arg4[%add3A_143, %dma_wait3A_193] : memref<32768x128xf32, #tpu.memory_space<hbm>> -> memref<128x128xf32, #tpu.memory_space<hbm>>
    %dma_wait3A_195 = arith.constant 0 : i32
    %dma_wait3A_196 = tpu.memref_slice %arg4[%add3A_143, %dma_wait3A_195] : memref<32768x128xf32, #tpu.memory_space<hbm>> -> memref<128x128xf32, #tpu.memory_space<hbm>>
    tpu.wait_dma2 semaphore(%arg14 : memref<!tpu.dma_semaphore, #tpu.memory_space<semaphore_mem>>) src(%arg6 : memref<128x128xf32, #tpu.memory_space<vmem>>) dst(%dma_wait3A_196 : memref<128x128xf32, #tpu.memory_space<hbm>>)
    %dma_wait3A_197 = arith.constant 0 : i32
    %dma_wait3A_198 = tpu.memref_slice %arg4[%add3A_158, %dma_wait3A_197] : memref<32768x128xf32, #tpu.memory_space<hbm>> -> memref<128x128xf32, #tpu.memory_space<hbm>>
    %dma_wait3A_199 = arith.constant 0 : i32
    %dma_wait3A_200 = tpu.memref_slice %arg4[%add3A_158, %dma_wait3A_199] : memref<32768x128xf32, #tpu.memory_space<hbm>> -> memref<128x128xf32, #tpu.memory_space<hbm>>
    tpu.wait_dma2 semaphore(%arg15 : memref<!tpu.dma_semaphore, #tpu.memory_space<semaphore_mem>>) src(%arg7 : memref<128x128xf32, #tpu.memory_space<vmem>>) dst(%dma_wait3A_200 : memref<128x128xf32, #tpu.memory_space<hbm>>)
    %dma_wait3A_201 = arith.constant 0 : i32
    %dma_wait3A_202 = tpu.memref_slice %arg4[%add3A_173, %dma_wait3A_201] : memref<32768x128xf32, #tpu.memory_space<hbm>> -> memref<128x128xf32, #tpu.memory_space<hbm>>
    %dma_wait3A_203 = arith.constant 0 : i32
    %dma_wait3A_204 = tpu.memref_slice %arg4[%add3A_173, %dma_wait3A_203] : memref<32768x128xf32, #tpu.memory_space<hbm>> -> memref<128x128xf32, #tpu.memory_space<hbm>>
    tpu.wait_dma2 semaphore(%arg16 : memref<!tpu.dma_semaphore, #tpu.memory_space<semaphore_mem>>) src(%arg8 : memref<128x128xf32, #tpu.memory_space<vmem>>) dst(%dma_wait3A_204 : memref<128x128xf32, #tpu.memory_space<hbm>>)
    %dma_wait3A_205 = arith.constant 0 : i32
    %dma_wait3A_206 = tpu.memref_slice %arg4[%add3A_188, %dma_wait3A_205] : memref<32768x128xf32, #tpu.memory_space<hbm>> -> memref<128x128xf32, #tpu.memory_space<hbm>>
    %dma_wait3A_207 = arith.constant 0 : i32
    %dma_wait3A_208 = tpu.memref_slice %arg4[%add3A_188, %dma_wait3A_207] : memref<32768x128xf32, #tpu.memory_space<hbm>> -> memref<128x128xf32, #tpu.memory_space<hbm>>
    tpu.wait_dma2 semaphore(%arg17 : memref<!tpu.dma_semaphore, #tpu.memory_space<semaphore_mem>>) src(%arg9 : memref<128x128xf32, #tpu.memory_space<vmem>>) dst(%dma_wait3A_208 : memref<128x128xf32, #tpu.memory_space<hbm>>)
    return
  }
}

module attributes {stable_mosaic.version = 14 : i64} {
  func.func @body(%arg0: i32, %arg1: memref<16x512x128xf32, #tpu.memory_space<vmem>>, %arg2: memref<16x1x512xf32, #tpu.memory_space<vmem>>, %arg3: memref<512x128xf32, #tpu.memory_space<vmem>>, %arg4: memref<1x128xf32, #tpu.memory_space<vmem>>, %arg5: memref<1x128xf32, #tpu.memory_space<vmem>>, %arg6: memref<1x128xf32, #tpu.memory_space<vmem>>, %arg7: memref<16x512x128xf32, #tpu.memory_space<vmem>>) attributes {dimension_semantics = [#tpu.dimension_semantics<parallel>], iteration_bounds = array<i64: 4>, scalar_prefetch = 0 : i64, scratch_operands = 0 : i64, tpu.core_type = #tpu.core_type<tc>, window_params = [{transform_indices = @transform_0, window_bounds = array<i64: 16, 512, 128>}, {transform_indices = @transform_1, window_bounds = array<i64: 16, 1, 512>}, {pipeline_mode = #tpu.pipeline_mode<synchronous>, transform_indices = @transform_2, window_bounds = array<i64: 512, 128>}, {pipeline_mode = #tpu.pipeline_mode<synchronous>, transform_indices = @transform_3, window_bounds = array<i64: 1, 128>}, {pipeline_mode = #tpu.pipeline_mode<synchronous>, transform_indices = @transform_4, window_bounds = array<i64: 1, 128>}, {pipeline_mode = #tpu.pipeline_mode<synchronous>, transform_indices = @transform_5, window_bounds = array<i64: 1, 128>}, {transform_indices = @transform_6, window_bounds = array<i64: 16, 512, 128>}]} {
    %get3A = arith.constant 0 : index
    %get3A_0 = arith.constant 0 : index
    %get3A_1 = arith.constant 0 : index
    %get3A_2 = vector.load %arg1[%get3A, %get3A_0, %get3A_1] : memref<16x512x128xf32, #tpu.memory_space<vmem>>, vector<16x512x128xf32>
    %get3A_3 = arith.constant 0 : index
    %get3A_4 = arith.constant 0 : index
    %get3A_5 = arith.constant 0 : index
    %get3A_6 = vector.load %arg2[%get3A_3, %get3A_4, %get3A_5] : memref<16x1x512xf32, #tpu.memory_space<vmem>>, vector<16x1x512xf32>
    %reshape3A = vector.shape_cast %get3A_6 : vector<16x1x512xf32> to vector<16x512x1xf32>
    %get3A_7 = arith.constant 0 : index
    %get3A_8 = arith.constant 0 : index
    %get3A_9 = vector.load %arg4[%get3A_7, %get3A_8] : memref<1x128xf32, #tpu.memory_space<vmem>>, vector<1x128xf32>
    %get3A_10 = vector.shape_cast %get3A_9 : vector<1x128xf32> to vector<128xf32>
    %broadcast_in_dim3A = vector.shape_cast %get3A_10 : vector<128xf32> to vector<1x1x128xf32>
    %get3A_11 = arith.constant 0 : index
    %get3A_12 = arith.constant 0 : index
    %get3A_13 = vector.load %arg3[%get3A_11, %get3A_12] : memref<512x128xf32, #tpu.memory_space<vmem>>, vector<512x128xf32>
    %broadcast_in_dim3A_14 = vector.shape_cast %get3A_13 : vector<512x128xf32> to vector<1x512x128xf32>
    %add3A = vector.broadcast %broadcast_in_dim3A_14 : vector<1x512x128xf32> to vector<16x512x128xf32>
    %add3A_15 = arith.addf %get3A_2, %add3A : vector<16x512x128xf32>
    %mul3A = vector.broadcast %reshape3A : vector<16x512x1xf32> to vector<16x512x128xf32>
    %mul3A_16 = vector.broadcast %broadcast_in_dim3A : vector<1x1x128xf32> to vector<16x512x128xf32>
    %mul3A_17 = arith.mulf %mul3A, %mul3A_16 : vector<16x512x128xf32>
    %add3A_18 = arith.addf %add3A_15, %mul3A_17 : vector<16x512x128xf32>
    %reduce_sum3A = arith.constant dense<0.000000e+00> : vector<16x512xf32>
    %reduce_sum3A_19 = vector.multi_reduction <add>, %add3A_18, %reduce_sum3A [2] : vector<16x512x128xf32> to vector<16x512xf32>
    %broadcast_in_dim3A_20 = vector.shape_cast %reduce_sum3A_19 : vector<16x512xf32> to vector<16x512x1xf32>
    %div3A = arith.constant 1.280000e+02 : f32
    %div3A_21 = vector.broadcast %div3A : f32 to vector<16x512x1xf32>
    %div3A_22 = arith.divf %broadcast_in_dim3A_20, %div3A_21 : vector<16x512x1xf32>
    %sub3A = vector.broadcast %div3A_22 : vector<16x512x1xf32> to vector<16x512x128xf32>
    %sub3A_23 = arith.subf %add3A_18, %sub3A : vector<16x512x128xf32>
    %mul3A_24 = arith.mulf %sub3A_23, %sub3A_23 : vector<16x512x128xf32>
    %reduce_sum3A_25 = arith.constant dense<0.000000e+00> : vector<16x512xf32>
    %reduce_sum3A_26 = vector.multi_reduction <add>, %mul3A_24, %reduce_sum3A_25 [2] : vector<16x512x128xf32> to vector<16x512xf32>
    %broadcast_in_dim3A_27 = vector.shape_cast %reduce_sum3A_26 : vector<16x512xf32> to vector<16x512x1xf32>
    %div3A_28 = arith.constant 1.280000e+02 : f32
    %div3A_29 = vector.broadcast %div3A_28 : f32 to vector<16x512x1xf32>
    %div3A_30 = arith.divf %broadcast_in_dim3A_27, %div3A_29 : vector<16x512x1xf32>
    %add3A_31 = arith.constant 9.99999996E-13 : f32
    %add3A_32 = vector.broadcast %add3A_31 : f32 to vector<16x512x1xf32>
    %add3A_33 = arith.addf %div3A_30, %add3A_32 : vector<16x512x1xf32>
    %rsqrt3A = math.rsqrt %add3A_33 : vector<16x512x1xf32>
    %mul3A_34 = vector.broadcast %rsqrt3A : vector<16x512x1xf32> to vector<16x512x128xf32>
    %mul3A_35 = arith.mulf %sub3A_23, %mul3A_34 : vector<16x512x128xf32>
    %get3A_36 = arith.constant 0 : index
    %get3A_37 = arith.constant 0 : index
    %get3A_38 = vector.load %arg5[%get3A_36, %get3A_37] : memref<1x128xf32, #tpu.memory_space<vmem>>, vector<1x128xf32>
    %get3A_39 = vector.shape_cast %get3A_38 : vector<1x128xf32> to vector<128xf32>
    %broadcast_in_dim3A_40 = vector.shape_cast %get3A_39 : vector<128xf32> to vector<1x1x128xf32>
    %mul3A_41 = vector.broadcast %broadcast_in_dim3A_40 : vector<1x1x128xf32> to vector<16x512x128xf32>
    %mul3A_42 = arith.mulf %mul3A_35, %mul3A_41 : vector<16x512x128xf32>
    %get3A_43 = arith.constant 0 : index
    %get3A_44 = arith.constant 0 : index
    %get3A_45 = vector.load %arg6[%get3A_43, %get3A_44] : memref<1x128xf32, #tpu.memory_space<vmem>>, vector<1x128xf32>
    %get3A_46 = vector.shape_cast %get3A_45 : vector<1x128xf32> to vector<128xf32>
    %broadcast_in_dim3A_47 = vector.shape_cast %get3A_46 : vector<128xf32> to vector<1x1x128xf32>
    %add3A_48 = vector.broadcast %broadcast_in_dim3A_47 : vector<1x1x128xf32> to vector<16x512x128xf32>
    %add3A_49 = arith.addf %mul3A_42, %add3A_48 : vector<16x512x128xf32>
    %swap3A = arith.constant 0 : index
    %swap3A_50 = arith.constant 0 : index
    %swap3A_51 = arith.constant 0 : index
    %swap3A_52 = vector.load %arg7[%swap3A, %swap3A_50, %swap3A_51] : memref<16x512x128xf32, #tpu.memory_space<vmem>>, vector<16x512x128xf32>
    tpu.vector_store %arg7[%swap3A, %swap3A_50, %swap3A_51], %add3A_49 {strides = array<i32>} : memref<16x512x128xf32, #tpu.memory_space<vmem>>, vector<16x512x128xf32>,
    return
  }
  func.func @transform_0(%arg0: i32) -> (i32, i32, i32) {
    %c0_i32 = arith.constant 0 : i32
    %c0_i32_0 = arith.constant 0 : i32
    %c0_i32_1 = arith.constant 0 : i32
    return %arg0, %c0_i32, %c0_i32_0 : i32, i32, i32
  }
  func.func @transform_1(%arg0: i32) -> (i32, i32, i32) {
    %c0_i32 = arith.constant 0 : i32
    %c0_i32_0 = arith.constant 0 : i32
    %c0_i32_1 = arith.constant 0 : i32
    return %arg0, %c0_i32, %c0_i32_0 : i32, i32, i32
  }
  func.func @transform_2(%arg0: i32) -> (i32, i32) {
    %c0_i32 = arith.constant 0 : i32
    %c0_i32_0 = arith.constant 0 : i32
    %c0_i32_1 = arith.constant 0 : i32
    return %c0_i32, %c0_i32_0 : i32, i32
  }
  func.func @transform_3(%arg0: i32) -> (i32, i32) {
    %c0_i32 = arith.constant 0 : i32
    %c0_i32_0 = arith.constant 0 : i32
    %c0_i32_1 = arith.constant 0 : i32
    return %c0_i32, %c0_i32_0 : i32, i32
  }
  func.func @transform_4(%arg0: i32) -> (i32, i32) {
    %c0_i32 = arith.constant 0 : i32
    %c0_i32_0 = arith.constant 0 : i32
    %c0_i32_1 = arith.constant 0 : i32
    return %c0_i32, %c0_i32_0 : i32, i32
  }
  func.func @transform_5(%arg0: i32) -> (i32, i32) {
    %c0_i32 = arith.constant 0 : i32
    %c0_i32_0 = arith.constant 0 : i32
    %c0_i32_1 = arith.constant 0 : i32
    return %c0_i32, %c0_i32_0 : i32, i32
  }
  func.func @transform_6(%arg0: i32) -> (i32, i32, i32) {
    %add3A = arith.constant 0 : i32
    %add3A_0 = arith.addi %arg0, %add3A : i32
    %c0_i32 = arith.constant 0 : i32
    %c0_i32_1 = arith.constant 0 : i32
    %c0_i32_2 = arith.constant 0 : i32
    return %add3A_0, %c0_i32, %c0_i32_1 : i32, i32, i32
  }
}

module attributes {stable_mosaic.version = 14 : i64} {
  func.func @_tc_body(%arg0: i32, %arg1: memref<16x512x128xf32, #tpu.memory_space<vmem>>, %arg2: memref<16x1x512xf32, #tpu.memory_space<vmem>>, %arg3: memref<512x128xf32, #tpu.memory_space<vmem>>, %arg4: memref<1x128xf32, #tpu.memory_space<vmem>>, %arg5: memref<1x128xf32, #tpu.memory_space<vmem>>, %arg6: memref<1x128xf32, #tpu.memory_space<vmem>>, %arg7: memref<128x512x128xf32, #tpu.memory_space<any>>, %arg8: memref<16x512x128xf32, #tpu.memory_space<vmem>>) attributes {dimension_semantics = [#tpu.dimension_semantics<parallel>], iteration_bounds = array<i64: 4>, scalar_prefetch = 0 : i64, scratch_operands = 0 : i64, tpu.core_type = #tpu.core_type<tc>, window_params = [{transform_indices = @transform_0, window_bounds = array<i64: 16, 512, 128>}, {transform_indices = @transform_1, window_bounds = array<i64: 16, 1, 512>}, {pipeline_mode = #tpu.pipeline_mode<synchronous>, transform_indices = @transform_2, window_bounds = array<i64: 512, 128>}, {pipeline_mode = #tpu.pipeline_mode<synchronous>, transform_indices = @transform_3, window_bounds = array<i64: 1, 128>}, {pipeline_mode = #tpu.pipeline_mode<synchronous>, transform_indices = @transform_4, window_bounds = array<i64: 1, 128>}, {pipeline_mode = #tpu.pipeline_mode<synchronous>, transform_indices = @transform_5, window_bounds = array<i64: 1, 128>}, {}, {transform_indices = @transform_7, window_bounds = array<i64: 16, 512, 128>}]} {
    %get3A = arith.constant 0 : index
    %get3A_0 = arith.constant 0 : index
    %get3A_1 = arith.constant 0 : index
    %get3A_2 = vector.load %arg1[%get3A, %get3A_0, %get3A_1] : memref<16x512x128xf32, #tpu.memory_space<vmem>>, vector<16x512x128xf32>
    %get3A_3 = arith.constant 0 : index
    %get3A_4 = arith.constant 0 : index
    %get3A_5 = arith.constant 0 : index
    %get3A_6 = vector.load %arg2[%get3A_3, %get3A_4, %get3A_5] : memref<16x1x512xf32, #tpu.memory_space<vmem>>, vector<16x1x512xf32>
    %reshape3A = vector.shape_cast %get3A_6 : vector<16x1x512xf32> to vector<16x512x1xf32>
    %get3A_7 = arith.constant 0 : index
    %get3A_8 = arith.constant 0 : index
    %get3A_9 = vector.load %arg4[%get3A_7, %get3A_8] : memref<1x128xf32, #tpu.memory_space<vmem>>, vector<1x128xf32>
    %get3A_10 = vector.shape_cast %get3A_9 : vector<1x128xf32> to vector<128xf32>
    %broadcast_in_dim3A = vector.shape_cast %get3A_10 : vector<128xf32> to vector<1x1x128xf32>
    %get3A_11 = arith.constant 0 : index
    %get3A_12 = arith.constant 0 : index
    %get3A_13 = vector.load %arg3[%get3A_11, %get3A_12] : memref<512x128xf32, #tpu.memory_space<vmem>>, vector<512x128xf32>
    %broadcast_in_dim3A_14 = vector.shape_cast %get3A_13 : vector<512x128xf32> to vector<1x512x128xf32>
    %add3A = vector.broadcast %broadcast_in_dim3A_14 : vector<1x512x128xf32> to vector<16x512x128xf32>
    %add3A_15 = arith.addf %get3A_2, %add3A : vector<16x512x128xf32>
    %mul3A = vector.broadcast %reshape3A : vector<16x512x1xf32> to vector<16x512x128xf32>
    %mul3A_16 = vector.broadcast %broadcast_in_dim3A : vector<1x1x128xf32> to vector<16x512x128xf32>
    %mul3A_17 = arith.mulf %mul3A, %mul3A_16 : vector<16x512x128xf32>
    %add3A_18 = arith.addf %add3A_15, %mul3A_17 : vector<16x512x128xf32>
    %reduce_sum3A = arith.constant dense<0.000000e+00> : vector<16x512xf32>
    %reduce_sum3A_19 = vector.multi_reduction <add>, %add3A_18, %reduce_sum3A [2] : vector<16x512x128xf32> to vector<16x512xf32>
    %broadcast_in_dim3A_20 = vector.shape_cast %reduce_sum3A_19 : vector<16x512xf32> to vector<16x512x1xf32>
    %div3A = arith.constant 1.280000e+02 : f32
    %div3A_21 = vector.broadcast %div3A : f32 to vector<16x512x1xf32>
    %div3A_22 = arith.divf %broadcast_in_dim3A_20, %div3A_21 : vector<16x512x1xf32>
    %sub3A = vector.broadcast %div3A_22 : vector<16x512x1xf32> to vector<16x512x128xf32>
    %sub3A_23 = arith.subf %add3A_18, %sub3A : vector<16x512x128xf32>
    %mul3A_24 = arith.mulf %sub3A_23, %sub3A_23 : vector<16x512x128xf32>
    %reduce_sum3A_25 = arith.constant dense<0.000000e+00> : vector<16x512xf32>
    %reduce_sum3A_26 = vector.multi_reduction <add>, %mul3A_24, %reduce_sum3A_25 [2] : vector<16x512x128xf32> to vector<16x512xf32>
    %broadcast_in_dim3A_27 = vector.shape_cast %reduce_sum3A_26 : vector<16x512xf32> to vector<16x512x1xf32>
    %div3A_28 = arith.constant 1.280000e+02 : f32
    %div3A_29 = vector.broadcast %div3A_28 : f32 to vector<16x512x1xf32>
    %div3A_30 = arith.divf %broadcast_in_dim3A_27, %div3A_29 : vector<16x512x1xf32>
    %add3A_31 = arith.constant 9.99999996E-13 : f32
    %add3A_32 = vector.broadcast %add3A_31 : f32 to vector<16x512x1xf32>
    %add3A_33 = arith.addf %div3A_30, %add3A_32 : vector<16x512x1xf32>
    %rsqrt3A = math.rsqrt %add3A_33 : vector<16x512x1xf32>
    %mul3A_34 = vector.broadcast %rsqrt3A : vector<16x512x1xf32> to vector<16x512x128xf32>
    %mul3A_35 = arith.mulf %sub3A_23, %mul3A_34 : vector<16x512x128xf32>
    %get3A_36 = arith.constant 0 : index
    %get3A_37 = arith.constant 0 : index
    %get3A_38 = vector.load %arg5[%get3A_36, %get3A_37] : memref<1x128xf32, #tpu.memory_space<vmem>>, vector<1x128xf32>
    %get3A_39 = vector.shape_cast %get3A_38 : vector<1x128xf32> to vector<128xf32>
    %broadcast_in_dim3A_40 = vector.shape_cast %get3A_39 : vector<128xf32> to vector<1x1x128xf32>
    %mul3A_41 = vector.broadcast %broadcast_in_dim3A_40 : vector<1x1x128xf32> to vector<16x512x128xf32>
    %mul3A_42 = arith.mulf %mul3A_35, %mul3A_41 : vector<16x512x128xf32>
    %get3A_43 = arith.constant 0 : index
    %get3A_44 = arith.constant 0 : index
    %get3A_45 = vector.load %arg6[%get3A_43, %get3A_44] : memref<1x128xf32, #tpu.memory_space<vmem>>, vector<1x128xf32>
    %get3A_46 = vector.shape_cast %get3A_45 : vector<1x128xf32> to vector<128xf32>
    %broadcast_in_dim3A_47 = vector.shape_cast %get3A_46 : vector<128xf32> to vector<1x1x128xf32>
    %add3A_48 = vector.broadcast %broadcast_in_dim3A_47 : vector<1x1x128xf32> to vector<16x512x128xf32>
    %add3A_49 = arith.addf %mul3A_42, %add3A_48 : vector<16x512x128xf32>
    %swap3A = arith.constant 0 : index
    %swap3A_50 = arith.constant 0 : index
    %swap3A_51 = arith.constant 0 : index
    %swap3A_52 = vector.load %arg8[%swap3A, %swap3A_50, %swap3A_51] : memref<16x512x128xf32, #tpu.memory_space<vmem>>, vector<16x512x128xf32>
    tpu.vector_store %arg8[%swap3A, %swap3A_50, %swap3A_51], %add3A_49 {strides = array<i32>} : memref<16x512x128xf32, #tpu.memory_space<vmem>>, vector<16x512x128xf32>,
    return
  }
  func.func @transform_0(%arg0: i32) -> (i32, i32, i32) {
    %c0_i32 = arith.constant 0 : i32
    %c0_i32_0 = arith.constant 0 : i32
    %c0_i32_1 = arith.constant 0 : i32
    return %arg0, %c0_i32, %c0_i32_0 : i32, i32, i32
  }
  func.func @transform_1(%arg0: i32) -> (i32, i32, i32) {
    %c0_i32 = arith.constant 0 : i32
    %c0_i32_0 = arith.constant 0 : i32
    %c0_i32_1 = arith.constant 0 : i32
    return %arg0, %c0_i32, %c0_i32_0 : i32, i32, i32
  }
  func.func @transform_2(%arg0: i32) -> (i32, i32) {
    %c0_i32 = arith.constant 0 : i32
    %c0_i32_0 = arith.constant 0 : i32
    %c0_i32_1 = arith.constant 0 : i32
    return %c0_i32, %c0_i32_0 : i32, i32
  }
  func.func @transform_3(%arg0: i32) -> (i32, i32) {
    %c0_i32 = arith.constant 0 : i32
    %c0_i32_0 = arith.constant 0 : i32
    %c0_i32_1 = arith.constant 0 : i32
    return %c0_i32, %c0_i32_0 : i32, i32
  }
  func.func @transform_4(%arg0: i32) -> (i32, i32) {
    %c0_i32 = arith.constant 0 : i32
    %c0_i32_0 = arith.constant 0 : i32
    %c0_i32_1 = arith.constant 0 : i32
    return %c0_i32, %c0_i32_0 : i32, i32
  }
  func.func @transform_5(%arg0: i32) -> (i32, i32) {
    %c0_i32 = arith.constant 0 : i32
    %c0_i32_0 = arith.constant 0 : i32
    %c0_i32_1 = arith.constant 0 : i32
    return %c0_i32, %c0_i32_0 : i32, i32
  }
  func.func @transform_7(%arg0: i32) -> (i32, i32, i32) {
    %add3A = arith.constant 4 : i32
    %add3A_0 = arith.addi %arg0, %add3A : i32
    %c0_i32 = arith.constant 0 : i32
    %c0_i32_1 = arith.constant 0 : i32
    %c0_i32_2 = arith.constant 0 : i32
    return %add3A_0, %c0_i32, %c0_i32_1 : i32, i32, i32
  }
}

</mosaic_0001>

<sc_bundles>
// kernel: kernel.6.cloned.1.call-start
scs
__scs_entry_jumppad:
0x0: {  	(pc) =	sbr.rel $0x88, $3  }
0x1: {  	(tag) =	ssettag $0x0;
	lr =	simm.s32 $0x1  }
0x2: {  	[smem:$0x3F9A] =	sst lr;
	_ =	strace $0xD0000000  }
0x3: {  	_ = 	snop  }
0x4: {  	_ = 	snop  }
0x5: {  	_ = 	snop  }
0x6: {  	_ = 	snop  }
0x7: {  	_ = 	snop  }
__scs_overlays_trampoline_lowered:
0x8: {  	[smem:$0x3FA9] =	sst s0  }
0x9: {  	[smem:$0x3FAA] =	sst s1  }
0xa: {  	[smem:$0x3FAB] =	sst s2  }
0xb: {  	[smem:$0x3FAC] =	sst s3  }
0xc: {  	[smem:$0x3FAD] =	sst s4  }
0xd: {  	[smem:$0x3FAE] =	sst s5  }
0xe: {  	[smem:$0x3FAF] =	sst s6  }
0xf: {  	[smem:$0x3FB0] =	sst s7  }
0x10: {  	[smem:$0x3FB1] =	sst s8  }
0x11: {  	[smem:$0x3FB2] =	sst s9;
	s0 =	simm.s32 @!p0 $0x0  }
0x12: {  	s1 =	sld [smem:$0x3F98];
	s0 =	simm.s32 @p0 $0x1  }
0x13: {  	[smem:$0x3FB3] =	sst s0;
	s0 =	simm.s32 @!p1 $0x0  }
0x14: {  	s2 =	sld [smem:$0x3F97];
	s0 =	simm.s32 @p1 $0x1  }
0x15: {  	[smem:$0x3FB4] =	sst s0;
	s0 =	simm.s32 @!p2 $0x0  }
0x16: {  	s3 =	sld [smem:$0x3FDB];
	s0 =	simm.s32 @p2 $0x1  }
0x17: {  	s4 =	simm.s32 $0x1BF5;
	[smem:$0x3FB6] =	sst s0  }
0x18: {  	s0 =	sld [smem:$0x3F99];
	_ =	swait.ge [sflag:s4], $0x0  }
0x19: {  	s7 =	sld [smem:$0x3F9A]  }
0x1a: {  	s8 =	sadd.s32 $0xFFFFE003, lr  }
0x1b: {  	s9 =	sadd.s32 $0xFFFFFEF7, lr;
	s5 =	simm.s32 $0xFFFFFFFF;
	p2 =	slt.u32 s8, $0xFFFFF086  }
0x1c: {  	p1 =	slt.u32 s9, $0xF7A;
	s5 =	simm.s32 @!p2 $0x0  }
0x1d: {  	s5 =	simm.s32 @p1 $0x1;
	p0 =	seq.s32 s7, s2  }
0x1e: {  	s7 =	smul.u32 @!p0 $0xF7A, s2;
	p2 =	seq.s32 @!p0 s5, $0x0  }
0x1f: {  	s9 =	smul.u32 $0xF7A, s1;
	s8 =	simm.s32 @!p0 $0x1BF5;
	p2 =	por !p2, p0  }
0x20: {  	[sflag:s8] =	ssyncset.s32 @!p0 $0xFFFFF086;
	s6 =	sadd.s32 @!p0 s3, s7;
	s7 =	simm.s32 @!p0 $0x108  }
0x21: {  	s3 =	sadd.s32 s3, s9;
	s6 =	sadd.s32 @!p0 $0x88, s6;
	s7 =	simm.s32 @p2 $0x1082  }
0x22: {  	[simem:s7], [sflag:s8] =	dma.local @!p0 [hbm:s6], $0xF7A  }
0x23: {  	s9 =	sor.u32 $0xD0000000, s2;
	s6 =	simm.s32 $0x108;
	_ =	swait.ge @!p0 [sflag:s8], $0x0  }
0x24: {  	s3 =	sadd.s32 $0x88, s3;
	s6 =	simm.s32 @!p1 $0x1082;
	[sflag:s4] =	ssyncset.s32 $0xFFFFF086  }
0x25: {  	[simem:s6], [sflag:s4] =	dma.local [hbm:s3], $0xF7A  }
0x26: {  	[smem:$0x3F9A] =	sst s1;
	(tag) =	ssettag s2;
	_ =	strace s9  }
0x27: {  	s1 =	sld [smem:$0x3FAA]  }
0x28: {  	s2 =	sld [smem:$0x3FAB]  }
0x29: {  	s4 =	sld [smem:$0x3FAD]  }
0x2a: {  	p0 =	seq.s32 s5, $0x0;
	s5 =	sld [smem:$0x3FAE]  }
0x2b: {  	s6 =	sld [smem:$0x3FAF]  }
0x2c: {  	s7 =	sld [smem:$0x3FB0]  }
0x2d: {  	s3 =	simm.s32 $0x108;
	s8 =	sld [smem:$0x3FB1]  }
0x2e: {  	s3 =	simm.s32 @!p0 $0x1082;
	s9 =	sld [smem:$0x3FB2]  }
0x2f: {  	lr =	sadd.s32 s0, s3;
	s0 =	sld [smem:$0x3FA9]  }
0x30: {  	s3 =	sld [smem:$0x3FAC]  }
0x31: {  	[smem:$0x3FB5] =	sst s10  }
0x32: {  	s10 =	sld [smem:$0x3FB3];
	_ =	sdelay $0x3  }
0x33: {  	p0 =	seq.s32 s10, $0x1;
	s10 =	sld [smem:$0x3FB5];
	_ =	sdelay $0x3  }
0x34: {  	[smem:$0x3FB5] =	sst s10  }
0x35: {  	s10 =	sld [smem:$0x3FB4];
	_ =	sdelay $0x3  }
0x36: {  	p1 =	seq.s32 s10, $0x1;
	s10 =	sld [smem:$0x3FB5];
	_ =	sdelay $0x3  }
0x37: {  	[smem:$0x3FB5] =	sst s10  }
0x38: {  	s10 =	sld [smem:$0x3FB6]  }
0x39: {  	_ = 	snop;
	(pc) =	sbr.ind lr, $3  }
0x3a: {  	_ = 	snop  }
0x3b: {  	_ = 	snop  }
0x3c: {  	p2 =	seq.s32 s10, $0x1;
	s10 =	sld [smem:$0x3FB5]  }
0x3d: {  	_ =	shalt  }
0x3e: {  	_ =	shalt  }
0x3f: {  	_ =	shalt  }
0x40: {  	_ =	shalt  }
0x41: {  	_ =	shalt  }
0x42: {  	_ =	shalt  }
0x43: {  	_ =	shalt  }
0x44: {  	_ =	shalt  }
0x45: {  	_ =	shalt  }
0x46: {  	_ =	shalt  }
0x47: {  	_ =	shalt  }
0x48: {  	_ =	shalt  }
0x49: {  	_ =	shalt  }
0x4a: {  	_ =	shalt  }
0x4b: {  	_ =	shalt  }
0x4c: {  	_ =	shalt  }
0x4d: {  	_ =	shalt  }
0x4e: {  	_ =	shalt  }
0x4f: {  	_ =	shalt  }
0x50: {  	_ =	shalt  }
0x51: {  	_ =	shalt  }
0x52: {  	_ =	shalt  }
0x53: {  	_ =	shalt  }
0x54: {  	_ =	shalt  }
0x55: {  	_ =	shalt  }
0x56: {  	_ =	shalt  }
0x57: {  	_ =	shalt  }
0x58: {  	_ =	shalt  }
0x59: {  	_ =	shalt  }
0x5a: {  	_ =	shalt  }
0x5b: {  	_ =	shalt  }
0x5c: {  	_ =	shalt  }
0x5d: {  	_ =	shalt  }
0x5e: {  	_ =	shalt  }
0x5f: {  	_ =	shalt  }
0x60: {  	_ =	shalt  }
0x61: {  	_ =	shalt  }
0x62: {  	_ =	shalt  }
0x63: {  	_ =	shalt  }
0x64: {  	_ =	shalt  }
0x65: {  	_ =	shalt  }
0x66: {  	_ =	shalt  }
0x67: {  	_ =	shalt  }
0x68: {  	_ =	shalt  }
0x69: {  	_ =	shalt  }
0x6a: {  	_ =	shalt  }
0x6b: {  	_ =	shalt  }
0x6c: {  	_ =	shalt  }
0x6d: {  	_ =	shalt  }
0x6e: {  	_ =	shalt  }
0x6f: {  	_ =	shalt  }
0x70: {  	_ =	shalt  }
0x71: {  	_ =	shalt  }
0x72: {  	_ =	shalt  }
0x73: {  	_ =	shalt  }
0x74: {  	_ =	shalt  }
0x75: {  	_ =	shalt  }
0x76: {  	_ =	shalt  }
0x77: {  	_ =	shalt  }
0x78: {  	_ =	shalt  }
0x79: {  	_ =	shalt  }
0x7a: {  	_ =	shalt  }
0x7b: {  	_ =	shalt  }
0x7c: {  	_ =	shalt  }
0x7d: {  	_ =	shalt  }
0x7e: {  	_ =	shalt  }
0x7f: {  	_ =	shalt  }
0x80: {  	_ =	shalt  }
0x81: {  	_ =	shalt  }
0x82: {  	_ =	shalt  }
0x83: {  	_ =	shalt  }
0x84: {  	_ =	shalt  }
0x85: {  	_ =	shalt  }
0x86: {  	_ =	shalt  }
0x87: {  	_ =	shalt  }
.Lfunc_end0:
.L_simem_size_0:
called_computation_lowered:
.L_overlay_start_0:
0x88: {  	s2 =	sld [smem:$0x3FD9]  }
0x89: {  	s3 =	sld [smem:$0x3FFE];
	_ =	sdelay $0x1  }
0x8a: {  	s1 =	srdreg.scid  }
0x8b: {  	s0 =	sand.u32 $0x1, s1  }
0x8c: {  	s17 =	sshll.u32 s0, $0xA;
	s2 =	sadd.s32 s3, s2  }
0x8d: {  	s2 =	sadd.s32 s2, s17  }
0x8e: {  	[smem:$0x3FC1] =	sst s2  }
0x8f: {  	_ = 	snop  }
0x90: {  	s2 =	sld [smem:$0x3FC7]  }
0x91: {  	s18 =	sld [smem:$0x3FD0];
	(tm) =	ssettm $0x1  }
0x92: {  	s4 =	sld [smem:$0x3FFB];
	_ =	sdelay $0x3  }
0x93: {  	_ =	strace s4  }
0x94: {  	s4 =	sld [smem:$0x3FFC];
	_ =	sdelay $0x3  }
0x95: {  	_ =	strace s4  }
0x96: {  	s4 =	sld [smem:$0x3FFD];
	_ =	sdelay $0x3  }
0x97: {  	_ =	strace s4  }
0x98: {  	_ =	strace $0x8FFFFFFF  }
0x99: {  	s19 =	sld [smem:$0x3FDB];
	_ =	sdelay $0x1  }
0x9a: {  	s5 =	simm.s32 $_scs_section_size  }
0x9b: {  	s6 =	simm.s32 $_size__tile_overlayer_lowered;
	s7 =	simm.s32 $_tile_overlayer_lowered  }
0x9c: {  	s22 =	simm.s32 $0x1BFF;
	s21 =	sshll.u32 s7, $0x1;
	s4 =	sadd.s32 s5, s19  }
0x9d: {  	s8 =	simm.s32 $0x0;
	s20 =	sshll.u32 s6, $0x1;
	s6 =	sadd.s32 s21, s4  }
0x9e: {  	[timem:s8], [sflag:s22] =	dma.local [hbm:s6], s20  }
0x9f: {  	_ =	swait.ge [sflag:s22], s20  }
0xa0: {  	s5 =	ssub.s32 $0x0, s20;
	[sflag:s22] =	ssyncset.done $0x0  }
0xa1: {  	[sflag:s22] =	ssyncadd.s32 s5;
	_ =	sdelay $0x1  }
0xa2: {  	s23 =	simm.s32 $0x1B8B  }
0xa3: {  	_ =	swait.ge [sflag:s23], $0x1  }
0xa4: {  	[sflag:s23] =	ssyncset.done $0x0  }
0xa5: {  	s25 =	simm.s32 $0x1B8E;
	s24 =	sld [smem:$0x3FFE];
	[sflag:s23] =	ssyncadd.s32 $0xFFFFFFFF  }
0xa6: {  	s26 =	simm.s32 $execute0_lowered;
	[smem:$0x3FD2] =	sst s25  }
0xa7: {  	s6 =	sshll.u32 s26, $0x1;
	_ =	strace $0x80000046;
	[dreg:$0x1] =	wrdreg $0xFFFFFFFF  }
0xa8: {  	s28 =	simm.s32 $_size_execute0_lowered;
	s4 =	sadd.s32 s4, s6;
	[dreg:$0x0] =	wrdreg $0x0  }
0xa9: {  	s6 =	sshll.u32 s28, $0x1;
	[dreg:$0x2] =	wrdreg s4  }
0xaa: {  	[dreg:$0x3] =	wrdreg s6  }
0xab: {  	[dreg:$0x4] =	wrdreg $0xC0  }
0xac: {  	_ =	task [dreg:s8], $0x5FFFF  }
0xad: {  	[dreg:$0x1] =	wrdreg $0xFFFFFFFF  }
0xae: {  	[dreg:$0x0] =	wrdreg $0x60  }
0xaf: {  	[dreg:$0x2] =	wrdreg s2  }
0xb0: {  	[dreg:$0x3] =	wrdreg s24  }
0xb1: {  	[dreg:$0x4] =	wrdreg s18  }
0xb2: {  	[dreg:$0x5] =	wrdreg $0x9  }
0xb3: {  	_ =	task.clear_ibuf [dreg:s8], $0x6FFFF;
	_ =	strace $0x90000046  }
0xb4: {  	s29 =	simm.s32 $0x9;
	_ =	strace $0x80000048  }
0xb5: {  	_ =	swait.ge [sflag:s29], $0x1  }
0xb6: {  	[sflag:s29] =	ssyncadd.s32 $0xFFFFFFFF  }
0xb7: {  	_ =	strace $0x90000048  }
0xb8: {  	_ =	sfence  }
0xb9: {  	s30 =	sld [smem:$0x0];
	_ =	sdelay $0x2  }
0xba: {  	s31 =	sshll.u32 s1, $0xD;
	s1 =	sshrl.u32 s1, $0x2  }
0xbb: {  	s3 =	sand.u32 $0x4000, s31;
	s1 =	sadd.s32 s1, s30  }
0xbc: {  	s0 =	sor.u32 s3, s0;
	s1 =	sshll.u32 s1, $0x11  }
0xbd: {  	s0 =	sor.u32 s1, s0  }
0xbe: {  	s0 =	sadd.s32 $0x8F2B, s0  }
0xbf: {  	[sflag:s0] =	ssyncadd.remote.s32 $0x1  }
0xc0: {  	_ =	sfence.sel $0xFFFF  }
0xc1: {  	[dreg:$0x0] =	wrdreg $0xFFFFFFFF;
	(pc) =	sbr.abs _section_cstart, $3  }
0xc2: {  	[dreg:$0x1] =	wrdreg $0xFFFFFFFF  }
0xc3: {  	_ =	task.clear_ibuf [dreg:s8], $0x2FFFF;
	_ =	strace $0x9FFFFFFF  }
0xc4: {  	(tm) =	ssettm $0x7FFFFFFF  }
0xc5: {  	_ =	shalt  }
tec
execute0_lowered:
.L_overlay_start_1:
0x0: {  	(tag) =	ssettag $0x1  }
0x1: {  	s1 =	srdreg.scid;
	s0 =	stileid.u32  }
0x2: {  	s1 =	sand.u32 $0x1, s1;
	s3 =	sshll.u32 s0, $0x1  }
0x3: {  	s2 =	rddreg [dreg:$0x0];
	s6 =	sor.u32 s1, s3  }
0x4: {  	s4 =	rddreg [dreg:$0x1];
	s7 =	sshll.u32 s6, $0x7  }
0x5: {  	s5 =	rddreg [dreg:$0x2];
	s3 =	simm.s32 $0x0;
	s4 =	sadd.s32 s7, s4  }
0x6: {  	[smem:$0x7FF] =	sst s3;
	s25 =	sshll.u32 s6, $0xE;
	s4 =	sadd.s32 $0x1A00, s4  }
0x7: {  	_ =	strace $0x80000047;
	[dreg:$0x4] =	wrdreg s4;
	s4 =	sadd.s32 s5, s25  }
0x8: {  	s26 =	rddreg [dreg:$0x4];
	s5 =	sadd.s32 $0x800, s4  }
0x9: {  	[dreg:$0x5] =	wrdreg s5;
	s5 =	simm.s32 $0x9  }
0xa: {  	[tilespmem:s3], [sflag:$0x9] =	stream.linear.gather [hbm4b:s26+s3], $0x400, $0x38;
	[tilespmem:$0x10400] =	vst v63  }
0xb: {  	_ =	swait.ge [sflag:s5], $0x400  }
0xc: {  	[sflag:s5] =	ssyncset.done $0x0  }
0xd: {  	s6 =	simm.s32 $0x80;
	s7 =	simm.s32 $0x400;
	[sflag:s5] =	ssyncadd.s32 $0xFFFFFC00  }
0xe: {  	[tilespmem:s7], [sflag:$0x1] =	stream.indirect.gather [hbm4b:s2+s6], $0x80, s3, s6, $0xb8;
	[tilespmem:$0x10400] =	vst v63  }
0xf: {  	s8 =	simm.s32 $0x4400  }
0x10: {  	[tilespmem:s8], [sflag:$0x2] =	stream.indirect.gather [hbm4b:s2+s6], $0x80, s6, s6, $0xb8;
	[tilespmem:$0x10400] =	vst v63  }
0x11: {  	s9 =	simm.s32 $0x100;
	s10 =	simm.s32 $0x8400  }
0x12: {  	[tilespmem:s10], [sflag:$0x3] =	stream.indirect.gather [hbm4b:s2+s6], $0x80, s9, s6, $0xb8;
	[tilespmem:$0x10400] =	vst v63  }
0x13: {  	s11 =	simm.s32 $0x180;
	s12 =	simm.s32 $0xC400;
	s13 =	simm.s32 $0x1  }
0x14: {  	[tilespmem:s12], [sflag:$0x4] =	stream.indirect.gather [hbm4b:s2+s6], $0x80, s11, s6, $0xb8;
	[tilespmem:$0x10400] =	vst v63  }
0x15: {  	_ =	swait.ge [sflag:s13], $0x4000  }
0x16: {  	[sflag:s13] =	ssyncset.done $0x0  }
0x17: {  	s14 =	simm.s32 $0x5;
	[sflag:s13] =	ssyncadd.s32 $0xFFFFC000  }
0x18: {  	[hbm4b:s4+s3] =	stream.linear.scatter [tilespmem:s7], [sflag:$0x5], $0x4000, $0x38;
	[tilespmem:$0x10400] =	vst v63  }
0x19: {  	_ =	swait.ge [sflag:s14], $0x4000  }
0x1a: {  	[sflag:s14] =	ssyncset.done $0x0  }
0x1b: {  	s15 =	simm.s32 $0x200;
	s16 =	simm.s32 $0x2;
	[sflag:s14] =	ssyncadd.s32 $0xFFFFC000  }
0x1c: {  	[tilespmem:s7], [sflag:$0x1] =	stream.indirect.gather [hbm4b:s2+s6], $0x80, s15, s6, $0xb8;
	[tilespmem:$0x10400] =	vst v63  }
0x1d: {  	_ =	swait.ge [sflag:s16], $0x4000  }
0x1e: {  	[sflag:s16] =	ssyncset.done $0x0  }
0x1f: {  	s17 =	simm.s32 $0x6;
	s18 =	rddreg [dreg:$0x5];
	[sflag:s16] =	ssyncadd.s32 $0xFFFFC000  }
0x20: {  	[hbm4b:s18+s3] =	stream.linear.scatter [tilespmem:s8], [sflag:$0x6], $0x4000, $0x38;
	[tilespmem:$0x10400] =	vst v63  }
0x21: {  	_ =	swait.ge [sflag:s17], $0x4000  }
0x22: {  	[sflag:s17] =	ssyncset.done $0x0  }
0x23: {  	s19 =	simm.s32 $0x3;
	s18 =	simm.s32 $0x280;
	[sflag:s17] =	ssyncadd.s32 $0xFFFFC000  }
0x24: {  	[tilespmem:s8], [sflag:$0x2] =	stream.indirect.gather [hbm4b:s2+s6], $0x80, s18, s6, $0xb8;
	[tilespmem:$0x10400] =	vst v63  }
0x25: {  	_ =	swait.ge [sflag:s19], $0x4000  }
0x26: {  	[sflag:s19] =	ssyncset.done $0x0  }
0x27: {  	s21 =	simm.s32 $0x7;
	s20 =	sadd.s32 $0x1000, s4;
	[sflag:s19] =	ssyncadd.s32 $0xFFFFC000  }
0x28: {  	[hbm4b:s20+s3] =	stream.linear.scatter [tilespmem:s10], [sflag:$0x7], $0x4000, $0x38;
	[tilespmem:$0x10400] =	vst v63  }
0x29: {  	_ =	swait.ge [sflag:s21], $0x4000  }
0x2a: {  	[sflag:s21] =	ssyncset.done $0x0  }
0x2b: {  	s22 =	simm.s32 $0x300;
	s23 =	simm.s32 $0x4;
	[sflag:s21] =	ssyncadd.s32 $0xFFFFC000  }
0x2c: {  	[tilespmem:s10], [sflag:$0x3] =	stream.indirect.gather [hbm4b:s2+s6], $0x80, s22, s6, $0xb8;
	[tilespmem:$0x10400] =	vst v63  }
0x2d: {  	_ =	swait.ge [sflag:s23], $0x4000  }
0x2e: {  	[sflag:s23] =	ssyncset.done $0x0  }
0x2f: {  	s25 =	simm.s32 $0x8;
	s24 =	sadd.s32 $0x1800, s4;
	[sflag:s23] =	ssyncadd.s32 $0xFFFFC000  }
0x30: {  	[hbm4b:s24+s3] =	stream.linear.scatter [tilespmem:s12], [sflag:$0x8], $0x4000, $0x38;
	[tilespmem:$0x10400] =	vst v63  }
0x31: {  	_ =	swait.ge [sflag:s25], $0x4000  }
0x32: {  	[sflag:s25] =	ssyncset.done $0x0  }
0x33: {  	s26 =	simm.s32 $0x380;
	[sflag:s25] =	ssyncadd.s32 $0xFFFFC000  }
0x34: {  	[tilespmem:s12], [sflag:$0x4] =	stream.indirect.gather [hbm4b:s2+s6], $0x80, s26, s6, $0xb8;
	[tilespmem:$0x10400] =	vst v63  }
0x35: {  	_ =	swait.ge [sflag:s13], $0x4000  }
0x36: {  	[sflag:s13] =	ssyncset.done $0x0  }
0x37: {  	s28 =	sadd.s32 $0x2000, s4;
	[sflag:s13] =	ssyncadd.s32 $0xFFFFC000  }
0x38: {  	[hbm4b:s28+s3] =	stream.linear.scatter [tilespmem:s7], [sflag:$0x5], $0x4000, $0x38;
	[tilespmem:$0x10400] =	vst v63  }
0x39: {  	_ =	swait.ge [sflag:s16], $0x4000  }
0x3a: {  	[sflag:s16] =	ssyncset.done $0x0  }
0x3b: {  	s29 =	sadd.s32 $0x2800, s4;
	[sflag:s16] =	ssyncadd.s32 $0xFFFFC000  }
0x3c: {  	[hbm4b:s29+s3] =	stream.linear.scatter [tilespmem:s8], [sflag:$0x6], $0x4000, $0x38;
	[tilespmem:$0x10400] =	vst v63  }
0x3d: {  	_ =	swait.ge [sflag:s19], $0x4000  }
0x3e: {  	[sflag:s19] =	ssyncset.done $0x0  }
0x3f: {  	s30 =	sadd.s32 $0x3000, s4;
	[sflag:s19] =	ssyncadd.s32 $0xFFFFC000  }
0x40: {  	[hbm4b:s30+s3] =	stream.linear.scatter [tilespmem:s10], [sflag:$0x7], $0x4000, $0x38;
	[tilespmem:$0x10400] =	vst v63  }
0x41: {  	_ =	swait.ge [sflag:s23], $0x4000  }
0x42: {  	[sflag:s23] =	ssyncset.done $0x0  }
0x43: {  	s31 =	sadd.s32 $0x3800, s4;
	[sflag:s23] =	ssyncadd.s32 $0xFFFFC000  }
0x44: {  	[hbm4b:s31+s3] =	stream.linear.scatter [tilespmem:s12], [sflag:$0x8], $0x4000, $0x38;
	[tilespmem:$0x10400] =	vst v63  }
0x45: {  	s1 =	ssub.s32 $0x2, s1;
	_ =	swait.ge [sflag:s14], $0x4000  }
0x46: {  	s0 =	sshrl.u32 s1, $0x1;
	[sflag:s14] =	ssyncset.done $0x0  }
0x47: {  	s0 =	ssub.s32 s1, s0;
	[sflag:s14] =	ssyncadd.s32 $0xFFFFC000  }
0x48: {  	s0 =	smax.u32 s0, $0x1;
	_ =	swait.ge [sflag:s17], $0x4000  }
0x49: {  	p0 =	sne.s32 s0, $0x1;
	[sflag:s17] =	ssyncset.done $0x0  }
.Ltmp0:
0x4a: {  	[sflag:s17] =	ssyncadd.s32 $0xFFFFC000;
	(pc) =	sbr.rel @!p0 .LBB2_2-.Ltmp0, $4  }
0x4b: {  	_ =	swait.ge [sflag:s21], $0x4000  }
0x4c: {  	[sflag:s21] =	ssyncset.done $0x0  }
0x4d: {  	[sflag:s21] =	ssyncadd.s32 $0xFFFFC000  }
0x4e: {  	s1 =	sadd.s32 $0xFFFFFFFF, s0;
	_ =	swait.ge [sflag:s25], $0x4000  }
.LBB2_1:
0x4f: {  	[sflag:s25] =	ssyncset.done $0x0  }
0x50: {  	s0 =	rddreg [dreg:$0x4];
	[sflag:s25] =	ssyncadd.s32 $0xFFFFC000  }
0x51: {  	[tilespmem:s3], [sflag:$0x9] =	stream.linear.gather [hbm4b:s0+s3], $0x400, $0x38;
	[tilespmem:$0x10400] =	vst v63  }
0x52: {  	_ =	swait.ge [sflag:s5], $0x400  }
0x53: {  	[sflag:s5] =	ssyncset.done $0x0  }
0x54: {  	[sflag:s5] =	ssyncadd.s32 $0xFFFFFC00  }
0x55: {  	[tilespmem:s7], [sflag:$0x1] =	stream.indirect.gather [hbm4b:s2+s6], $0x80, s3, s6, $0xb8;
	[tilespmem:$0x10400] =	vst v63  }
0x56: {  	_ = 	snop  }
0x57: {  	[tilespmem:s8], [sflag:$0x2] =	stream.indirect.gather [hbm4b:s2+s6], $0x80, s6, s6, $0xb8;
	[tilespmem:$0x10400] =	vst v63  }
0x58: {  	_ = 	snop  }
0x59: {  	[tilespmem:s10], [sflag:$0x3] =	stream.indirect.gather [hbm4b:s2+s6], $0x80, s9, s6, $0xb8;
	[tilespmem:$0x10400] =	vst v63  }
0x5a: {  	_ = 	snop  }
0x5b: {  	[tilespmem:s12], [sflag:$0x4] =	stream.indirect.gather [hbm4b:s2+s6], $0x80, s11, s6, $0xb8;
	[tilespmem:$0x10400] =	vst v63  }
0x5c: {  	_ =	swait.ge [sflag:s13], $0x4000  }
0x5d: {  	[sflag:s13] =	ssyncset.done $0x0  }
0x5e: {  	[sflag:s13] =	ssyncadd.s32 $0xFFFFC000  }
0x5f: {  	[hbm4b:s4+s3] =	stream.linear.scatter [tilespmem:s7], [sflag:$0x5], $0x4000, $0x38;
	[tilespmem:$0x10400] =	vst v63  }
0x60: {  	_ =	swait.ge [sflag:s14], $0x4000  }
0x61: {  	[sflag:s14] =	ssyncset.done $0x0  }
0x62: {  	[sflag:s14] =	ssyncadd.s32 $0xFFFFC000  }
0x63: {  	[tilespmem:s7], [sflag:$0x1] =	stream.indirect.gather [hbm4b:s2+s6], $0x80, s15, s6, $0xb8;
	[tilespmem:$0x10400] =	vst v63  }
0x64: {  	_ =	swait.ge [sflag:s16], $0x4000  }
0x65: {  	[sflag:s16] =	ssyncset.done $0x0  }
0x66: {  	s0 =	rddreg [dreg:$0x5];
	[sflag:s16] =	ssyncadd.s32 $0xFFFFC000  }
0x67: {  	[hbm4b:s0+s3] =	stream.linear.scatter [tilespmem:s8], [sflag:$0x6], $0x4000, $0x38;
	[tilespmem:$0x10400] =	vst v63  }
0x68: {  	_ =	swait.ge [sflag:s17], $0x4000  }
0x69: {  	[sflag:s17] =	ssyncset.done $0x0  }
0x6a: {  	[sflag:s17] =	ssyncadd.s32 $0xFFFFC000  }
0x6b: {  	[tilespmem:s8], [sflag:$0x2] =	stream.indirect.gather [hbm4b:s2+s6], $0x80, s18, s6, $0xb8;
	[tilespmem:$0x10400] =	vst v63  }
0x6c: {  	_ =	swait.ge [sflag:s19], $0x4000  }
0x6d: {  	[sflag:s19] =	ssyncset.done $0x0  }
0x6e: {  	[sflag:s19] =	ssyncadd.s32 $0xFFFFC000  }
0x6f: {  	[hbm4b:s20+s3] =	stream.linear.scatter [tilespmem:s10], [sflag:$0x7], $0x4000, $0x38;
	[tilespmem:$0x10400] =	vst v63  }
0x70: {  	_ =	swait.ge [sflag:s21], $0x4000  }
0x71: {  	[sflag:s21] =	ssyncset.done $0x0  }
0x72: {  	[sflag:s21] =	ssyncadd.s32 $0xFFFFC000  }
0x73: {  	[tilespmem:s10], [sflag:$0x3] =	stream.indirect.gather [hbm4b:s2+s6], $0x80, s22, s6, $0xb8;
	[tilespmem:$0x10400] =	vst v63  }
0x74: {  	_ =	swait.ge [sflag:s23], $0x4000  }
0x75: {  	[sflag:s23] =	ssyncset.done $0x0  }
0x76: {  	[sflag:s23] =	ssyncadd.s32 $0xFFFFC000  }
0x77: {  	[hbm4b:s24+s3] =	stream.linear.scatter [tilespmem:s12], [sflag:$0x8], $0x4000, $0x38;
	[tilespmem:$0x10400] =	vst v63  }
0x78: {  	_ =	swait.ge [sflag:s25], $0x4000  }
0x79: {  	[sflag:s25] =	ssyncset.done $0x0  }
0x7a: {  	[sflag:s25] =	ssyncadd.s32 $0xFFFFC000  }
0x7b: {  	[tilespmem:s12], [sflag:$0x4] =	stream.indirect.gather [hbm4b:s2+s6], $0x80, s26, s6, $0xb8;
	[tilespmem:$0x10400] =	vst v63  }
0x7c: {  	_ =	swait.ge [sflag:s13], $0x4000  }
0x7d: {  	[sflag:s13] =	ssyncset.done $0x0  }
0x7e: {  	[sflag:s13] =	ssyncadd.s32 $0xFFFFC000  }
0x7f: {  	[hbm4b:s28+s3] =	stream.linear.scatter [tilespmem:s7], [sflag:$0x5], $0x4000, $0x38;
	[tilespmem:$0x10400] =	vst v63  }
0x80: {  	_ =	swait.ge [sflag:s16], $0x4000  }
0x81: {  	[sflag:s16] =	ssyncset.done $0x0  }
0x82: {  	[sflag:s16] =	ssyncadd.s32 $0xFFFFC000  }
0x83: {  	[hbm4b:s29+s3] =	stream.linear.scatter [tilespmem:s8], [sflag:$0x6], $0x4000, $0x38;
	[tilespmem:$0x10400] =	vst v63  }
0x84: {  	_ =	swait.ge [sflag:s19], $0x4000  }
0x85: {  	[sflag:s19] =	ssyncset.done $0x0  }
0x86: {  	[sflag:s19] =	ssyncadd.s32 $0xFFFFC000  }
0x87: {  	[hbm4b:s30+s3] =	stream.linear.scatter [tilespmem:s10], [sflag:$0x7], $0x4000, $0x38;
	[tilespmem:$0x10400] =	vst v63  }
0x88: {  	_ =	swait.ge [sflag:s23], $0x4000  }
0x89: {  	[sflag:s23] =	ssyncset.done $0x0  }
0x8a: {  	[sflag:s23] =	ssyncadd.s32 $0xFFFFC000  }
0x8b: {  	[hbm4b:s31+s3] =	stream.linear.scatter [tilespmem:s12], [sflag:$0x8], $0x4000, $0x38;
	[tilespmem:$0x10400] =	vst v63  }
0x8c: {  	_ =	swait.ge [sflag:s14], $0x4000  }
0x8d: {  	[sflag:s14] =	ssyncset.done $0x0  }
0x8e: {  	[sflag:s14] =	ssyncadd.s32 $0xFFFFC000  }
0x8f: {  	_ =	swait.ge [sflag:s17], $0x4000  }
0x90: {  	p0 =	sne.s32 s1, $0x1;
	[sflag:s17] =	ssyncset.done $0x0  }
.Ltmp1:
0x91: {  	[sflag:s17] =	ssyncadd.s32 $0xFFFFC000;
	(pc) =	sbr.rel @p0 .LBB2_1-.Ltmp1, $4  }
0x92: {  	_ =	swait.ge [sflag:s21], $0x4000  }
0x93: {  	[sflag:s21] =	ssyncset.done $0x0  }
0x94: {  	[sflag:s21] =	ssyncadd.s32 $0xFFFFC000  }
0x95: {  	s1 =	sadd.s32 $0xFFFFFFFF, s1;
	_ =	swait.ge [sflag:s25], $0x4000  }
.LBB2_2:
0x96: {  	[sflag:s25] =	ssyncset.done $0x0  }
0x97: {  	[sflag:s25] =	ssyncadd.s32 $0xFFFFC000  }
0x98: {  	_ =	sfence.sel $0x180000  }
0x99: {  	[bflag:$0x0] =	sbarrier.arrive $0xFFFF  }
0x9a: {  	_ =	strace $0x90000047  }
0x9b: {  	s0 =	stileid.u32;
	[bflag:$0x2] =	sbarrier.arrive $0xFFFF  }
0x9c: {  	p0 =	sne.s32 s0, $0x0;
	s0 =	rddreg [dreg:$0x3]  }
0x9d: {  	s0 =	sadd.s32 @!p0 $0x100000, s0  }
0x9e: {  	[sflag:s0] =	ssyncadd.tile.s32 @!p0 $0x1;
	_ =	shalt  }
.Lfunc_end2:
_tile_overlayer_lowered:
.L_overlay_start_2:
0x9f: {  	(tag) =	ssettag $0x2  }
0xa0: {  	s0 =	rddreg [dreg:$0x0];
	s2 =	stileid.u32  }
0xa1: {  	s1 =	rddreg [dreg:$0x1];
	p0 =	sne.s32 s2, $0x0  }
0xa2: {  	s3 =	rddreg [dreg:$0x2];
	[bflag:$0x3] =	sbarrier.arrive $0xFFFF;
	s2 =	simm.s32 @!p0 $0x1C09  }
0xa3: {  	[timem:s3], [sflag:s2] =	dma.local @!p0 [hbm:s0], s1  }
0xa4: {  	s0 =	simm.s32 @!p0 $0x9  }
0xa5: {  	_ =	swait.ge @!p0 [sflag:s0], s1  }
0xa6: {  	s1 =	ssub.s32 @!p0 $0x0, s1;
	[sflag:s0] =	ssyncset.done @!p0 $0x0  }
0xa7: {  	[sflag:s0] =	ssyncadd.s32 @!p0 s1  }
0xa8: {  	[bflag:$0x3] =	sbarrier.arrive $0xFFFF  }
0xa9: {  	_ =	shalt  }

// kernel: kernel.9.cloned.1.call-start
scs
__scs_entry_jumppad:
0x0: {  	(pc) =	sbr.rel $0x88, $3  }
0x1: {  	(tag) =	ssettag $0x0;
	lr =	simm.s32 $0x1  }
0x2: {  	[smem:$0x3F9A] =	sst lr;
	_ =	strace $0xD0000000  }
0x3: {  	_ = 	snop  }
0x4: {  	_ = 	snop  }
0x5: {  	_ = 	snop  }
0x6: {  	_ = 	snop  }
0x7: {  	_ = 	snop  }
__scs_overlays_trampoline_lowered:
0x8: {  	[smem:$0x3FA9] =	sst s0  }
0x9: {  	[smem:$0x3FAA] =	sst s1  }
0xa: {  	[smem:$0x3FAB] =	sst s2  }
0xb: {  	[smem:$0x3FAC] =	sst s3  }
0xc: {  	[smem:$0x3FAD] =	sst s4  }
0xd: {  	[smem:$0x3FAE] =	sst s5  }
0xe: {  	[smem:$0x3FAF] =	sst s6  }
0xf: {  	[smem:$0x3FB0] =	sst s7  }
0x10: {  	[smem:$0x3FB1] =	sst s8  }
0x11: {  	[smem:$0x3FB2] =	sst s9;
	s0 =	simm.s32 @!p0 $0x0  }
0x12: {  	s1 =	sld [smem:$0x3F98];
	s0 =	simm.s32 @p0 $0x1  }
0x13: {  	[smem:$0x3FB3] =	sst s0;
	s0 =	simm.s32 @!p1 $0x0  }
0x14: {  	s2 =	sld [smem:$0x3F97];
	s0 =	simm.s32 @p1 $0x1  }
0x15: {  	[smem:$0x3FB4] =	sst s0;
	s0 =	simm.s32 @!p2 $0x0  }
0x16: {  	s3 =	sld [smem:$0x3FDB];
	s0 =	simm.s32 @p2 $0x1  }
0x17: {  	s4 =	simm.s32 $0x1BF5;
	[smem:$0x3FB6] =	sst s0  }
0x18: {  	s0 =	sld [smem:$0x3F99];
	_ =	swait.ge [sflag:s4], $0x0  }
0x19: {  	s7 =	sld [smem:$0x3F9A]  }
0x1a: {  	s8 =	sadd.s32 $0xFFFFE003, lr  }
0x1b: {  	s9 =	sadd.s32 $0xFFFFFEF7, lr;
	s5 =	simm.s32 $0xFFFFFFFF;
	p2 =	slt.u32 s8, $0xFFFFF086  }
0x1c: {  	p1 =	slt.u32 s9, $0xF7A;
	s5 =	simm.s32 @!p2 $0x0  }
0x1d: {  	s5 =	simm.s32 @p1 $0x1;
	p0 =	seq.s32 s7, s2  }
0x1e: {  	s7 =	smul.u32 @!p0 $0xF7A, s2;
	p2 =	seq.s32 @!p0 s5, $0x0  }
0x1f: {  	s9 =	smul.u32 $0xF7A, s1;
	s8 =	simm.s32 @!p0 $0x1BF5;
	p2 =	por !p2, p0  }
0x20: {  	[sflag:s8] =	ssyncset.s32 @!p0 $0xFFFFF086;
	s6 =	sadd.s32 @!p0 s3, s7;
	s7 =	simm.s32 @!p0 $0x108  }
0x21: {  	s3 =	sadd.s32 s3, s9;
	s6 =	sadd.s32 @!p0 $0x88, s6;
	s7 =	simm.s32 @p2 $0x1082  }
0x22: {  	[simem:s7], [sflag:s8] =	dma.local @!p0 [hbm:s6], $0xF7A  }
0x23: {  	s9 =	sor.u32 $0xD0000000, s2;
	s6 =	simm.s32 $0x108;
	_ =	swait.ge @!p0 [sflag:s8], $0x0  }
0x24: {  	s3 =	sadd.s32 $0x88, s3;
	s6 =	simm.s32 @!p1 $0x1082;
	[sflag:s4] =	ssyncset.s32 $0xFFFFF086  }
0x25: {  	[simem:s6], [sflag:s4] =	dma.local [hbm:s3], $0xF7A  }
0x26: {  	[smem:$0x3F9A] =	sst s1;
	(tag) =	ssettag s2;
	_ =	strace s9  }
0x27: {  	s1 =	sld [smem:$0x3FAA]  }
0x28: {  	s2 =	sld [smem:$0x3FAB]  }
0x29: {  	s4 =	sld [smem:$0x3FAD]  }
0x2a: {  	p0 =	seq.s32 s5, $0x0;
	s5 =	sld [smem:$0x3FAE]  }
0x2b: {  	s6 =	sld [smem:$0x3FAF]  }
0x2c: {  	s7 =	sld [smem:$0x3FB0]  }
0x2d: {  	s3 =	simm.s32 $0x108;
	s8 =	sld [smem:$0x3FB1]  }
0x2e: {  	s3 =	simm.s32 @!p0 $0x1082;
	s9 =	sld [smem:$0x3FB2]  }
0x2f: {  	lr =	sadd.s32 s0, s3;
	s0 =	sld [smem:$0x3FA9]  }
0x30: {  	s3 =	sld [smem:$0x3FAC]  }
0x31: {  	[smem:$0x3FB5] =	sst s10  }
0x32: {  	s10 =	sld [smem:$0x3FB3];
	_ =	sdelay $0x3  }
0x33: {  	p0 =	seq.s32 s10, $0x1;
	s10 =	sld [smem:$0x3FB5];
	_ =	sdelay $0x3  }
0x34: {  	[smem:$0x3FB5] =	sst s10  }
0x35: {  	s10 =	sld [smem:$0x3FB4];
	_ =	sdelay $0x3  }
0x36: {  	p1 =	seq.s32 s10, $0x1;
	s10 =	sld [smem:$0x3FB5];
	_ =	sdelay $0x3  }
0x37: {  	[smem:$0x3FB5] =	sst s10  }
0x38: {  	s10 =	sld [smem:$0x3FB6]  }
0x39: {  	_ = 	snop;
	(pc) =	sbr.ind lr, $3  }
0x3a: {  	_ = 	snop  }
0x3b: {  	_ = 	snop  }
0x3c: {  	p2 =	seq.s32 s10, $0x1;
	s10 =	sld [smem:$0x3FB5]  }
0x3d: {  	_ =	shalt  }
0x3e: {  	_ =	shalt  }
0x3f: {  	_ =	shalt  }
0x40: {  	_ =	shalt  }
0x41: {  	_ =	shalt  }
0x42: {  	_ =	shalt  }
0x43: {  	_ =	shalt  }
0x44: {  	_ =	shalt  }
0x45: {  	_ =	shalt  }
0x46: {  	_ =	shalt  }
0x47: {  	_ =	shalt  }
0x48: {  	_ =	shalt  }
0x49: {  	_ =	shalt  }
0x4a: {  	_ =	shalt  }
0x4b: {  	_ =	shalt  }
0x4c: {  	_ =	shalt  }
0x4d: {  	_ =	shalt  }
0x4e: {  	_ =	shalt  }
0x4f: {  	_ =	shalt  }
0x50: {  	_ =	shalt  }
0x51: {  	_ =	shalt  }
0x52: {  	_ =	shalt  }
0x53: {  	_ =	shalt  }
0x54: {  	_ =	shalt  }
0x55: {  	_ =	shalt  }
0x56: {  	_ =	shalt  }
0x57: {  	_ =	shalt  }
0x58: {  	_ =	shalt  }
0x59: {  	_ =	shalt  }
0x5a: {  	_ =	shalt  }
0x5b: {  	_ =	shalt  }
0x5c: {  	_ =	shalt  }
0x5d: {  	_ =	shalt  }
0x5e: {  	_ =	shalt  }
0x5f: {  	_ =	shalt  }
0x60: {  	_ =	shalt  }
0x61: {  	_ =	shalt  }
0x62: {  	_ =	shalt  }
0x63: {  	_ =	shalt  }
0x64: {  	_ =	shalt  }
0x65: {  	_ =	shalt  }
0x66: {  	_ =	shalt  }
0x67: {  	_ =	shalt  }
0x68: {  	_ =	shalt  }
0x69: {  	_ =	shalt  }
0x6a: {  	_ =	shalt  }
0x6b: {  	_ =	shalt  }
0x6c: {  	_ =	shalt  }
0x6d: {  	_ =	shalt  }
0x6e: {  	_ =	shalt  }
0x6f: {  	_ =	shalt  }
0x70: {  	_ =	shalt  }
0x71: {  	_ =	shalt  }
0x72: {  	_ =	shalt  }
0x73: {  	_ =	shalt  }
0x74: {  	_ =	shalt  }
0x75: {  	_ =	shalt  }
0x76: {  	_ =	shalt  }
0x77: {  	_ =	shalt  }
0x78: {  	_ =	shalt  }
0x79: {  	_ =	shalt  }
0x7a: {  	_ =	shalt  }
0x7b: {  	_ =	shalt  }
0x7c: {  	_ =	shalt  }
0x7d: {  	_ =	shalt  }
0x7e: {  	_ =	shalt  }
0x7f: {  	_ =	shalt  }
0x80: {  	_ =	shalt  }
0x81: {  	_ =	shalt  }
0x82: {  	_ =	shalt  }
0x83: {  	_ =	shalt  }
0x84: {  	_ =	shalt  }
0x85: {  	_ =	shalt  }
0x86: {  	_ =	shalt  }
0x87: {  	_ =	shalt  }
.Lfunc_end0:
.L_simem_size_0:
called_computation.1_lowered:
.L_overlay_start_0:
0x88: {  	s2 =	sld [smem:$0x3FD9]  }
0x89: {  	s3 =	sld [smem:$0x3FFE];
	_ =	sdelay $0x1  }
0x8a: {  	s1 =	srdreg.scid  }
0x8b: {  	s0 =	sand.u32 $0x1, s1  }
0x8c: {  	s17 =	sshll.u32 s0, $0xA;
	s2 =	sadd.s32 s3, s2  }
0x8d: {  	s2 =	sadd.s32 s2, s17  }
0x8e: {  	[smem:$0x3FC1] =	sst s2  }
0x8f: {  	_ = 	snop  }
0x90: {  	s18 =	sld [smem:$0x3FC7];
	(tm) =	ssettm $0x1  }
0x91: {  	s19 =	sld [smem:$0x3FFB];
	_ =	sdelay $0x3  }
0x92: {  	_ =	strace s19  }
0x93: {  	s2 =	sld [smem:$0x3FFC];
	_ =	sdelay $0x3  }
0x94: {  	_ =	strace s2  }
0x95: {  	s2 =	sld [smem:$0x3FFD];
	_ =	sdelay $0x3  }
0x96: {  	_ =	strace s2  }
0x97: {  	_ =	strace $0x8FFFFFFF  }
0x98: {  	s20 =	sld [smem:$0x3FDB];
	_ =	sdelay $0x1  }
0x99: {  	s4 =	simm.s32 $_scs_section_size  }
0x9a: {  	s5 =	simm.s32 $_size__tile_overlayer_lowered;
	s6 =	simm.s32 $_tile_overlayer_lowered  }
0x9b: {  	s7 =	simm.s32 $0x1BFF;
	s21 =	sshll.u32 s6, $0x1;
	s4 =	sadd.s32 s4, s20  }
0x9c: {  	s22 =	simm.s32 $0x0;
	s5 =	sshll.u32 s5, $0x1;
	s6 =	sadd.s32 s21, s4  }
0x9d: {  	[timem:s22], [sflag:s7] =	dma.local [hbm:s6], s5  }
0x9e: {  	_ =	swait.ge [sflag:s7], s5  }
0x9f: {  	s5 =	ssub.s32 $0x0, s5;
	[sflag:s7] =	ssyncset.done $0x0  }
0xa0: {  	[sflag:s7] =	ssyncadd.s32 s5;
	_ =	sdelay $0x1  }
0xa1: {  	s23 =	simm.s32 $0x1B8B  }
0xa2: {  	_ =	swait.ge [sflag:s23], $0x1  }
0xa3: {  	[sflag:s23] =	ssyncset.done $0x0  }
0xa4: {  	[sflag:s23] =	ssyncadd.s32 $0xFFFFFFFF  }
0xa5: {  	s5 =	sld [smem:$0x0]  }
0xa6: {  	s6 =	sand.u32 $0xFFFFFFFE, s1  }
0xa7: {  	p0 =	sne.s32 s1, s6  }
0xa8: {  	s6 =	sshll.u32 @p0 s6, $0xE  }
0xa9: {  	s6 =	sadd.s32 @p0 $0x11B8D, s6;
	s7 =	sshll.u32 @p0 s5, $0x11  }
0xaa: {  	s6 =	sor.u32 @p0 s7, s6  }
0xab: {  	[sflag:s6] =	ssyncadd.remote.s32 @p0 $0x1;
	_ =	sdelay $0x1  }
0xac: {  	s6 =	simm.s32 @p0 $0x1B8D  }
0xad: {  	_ =	swait.eq @p0 [sflag:s6], $0x1  }
0xae: {  	[sflag:s6] =	ssyncadd.s32 @p0 $0xFFFFFFFF  }
0xaf: {  	s7 =	sshll.u32 @!p0 s1, $0xE  }
0xb0: {  	s7 =	sor.u32 @!p0 $0x4000, s7;
	s6 =	simm.s32 @!p0 $0x1B8D  }
0xb1: {  	s5 =	sshll.u32 @!p0 s5, $0x11;
	s7 =	sadd.s32 @!p0 $0x11B8D, s7;
	_ =	swait.eq @!p0 [sflag:s6], $0x1  }
0xb2: {  	s5 =	sor.u32 @!p0 s5, s7;
	[sflag:s6] =	ssyncadd.s32 @!p0 $0xFFFFFFFF  }
0xb3: {  	s25 =	simm.s32 $0x1B8E;
	s24 =	sld [smem:$0x3FFE];
	[sflag:s5] =	ssyncadd.remote.s32 @!p0 $0x1  }
0xb4: {  	s26 =	simm.s32 $execute0_lowered;
	[smem:$0x3FD2] =	sst s25  }
0xb5: {  	s6 =	sshll.u32 s26, $0x1;
	_ =	strace $0x80000049;
	[dreg:$0x1] =	wrdreg $0xFFFFFFFF  }
0xb6: {  	s28 =	simm.s32 $_size_execute0_lowered;
	s4 =	sadd.s32 s4, s6;
	[dreg:$0x0] =	wrdreg $0x0  }
0xb7: {  	s6 =	sshll.u32 s28, $0x1;
	[dreg:$0x2] =	wrdreg s4  }
0xb8: {  	[dreg:$0x3] =	wrdreg s6  }
0xb9: {  	[dreg:$0x4] =	wrdreg $0xC0  }
0xba: {  	_ =	task [dreg:s22], $0x5FFFF  }
0xbb: {  	[dreg:$0x1] =	wrdreg $0xFFFFFFFF  }
0xbc: {  	[dreg:$0x0] =	wrdreg $0x60  }
0xbd: {  	[dreg:$0x2] =	wrdreg s18  }
0xbe: {  	[dreg:$0x3] =	wrdreg s24  }
0xbf: {  	[dreg:$0x4] =	wrdreg $0xA  }
0xc0: {  	_ =	task.clear_ibuf [dreg:s22], $0x5FFFF;
	_ =	strace $0x90000049  }
0xc1: {  	s29 =	simm.s32 $0xA;
	_ =	strace $0x8000004B  }
0xc2: {  	_ =	swait.ge [sflag:s29], $0x1  }
0xc3: {  	[sflag:s29] =	ssyncadd.s32 $0xFFFFFFFF  }
0xc4: {  	_ =	strace $0x9000004B  }
0xc5: {  	_ =	sfence  }
0xc6: {  	s30 =	sld [smem:$0x0];
	_ =	sdelay $0x2  }
0xc7: {  	s31 =	sshll.u32 s1, $0xD;
	s1 =	sshrl.u32 s1, $0x2  }
0xc8: {  	s4 =	sand.u32 $0x4000, s31;
	s1 =	sadd.s32 s1, s30  }
0xc9: {  	s0 =	sor.u32 s4, s0;
	s1 =	sshll.u32 s1, $0x11  }
0xca: {  	s0 =	sor.u32 s1, s0  }
0xcb: {  	s0 =	sadd.s32 $0x8F2B, s0  }
0xcc: {  	[sflag:s0] =	ssyncadd.remote.s32 $0x1  }
0xcd: {  	_ =	sfence.sel $0xFFFF  }
0xce: {  	[dreg:$0x0] =	wrdreg $0xFFFFFFFF;
	(pc) =	sbr.abs _section_cstart, $3  }
0xcf: {  	[dreg:$0x1] =	wrdreg $0xFFFFFFFF  }
0xd0: {  	_ =	task.clear_ibuf [dreg:s22], $0x2FFFF;
	_ =	strace $0x9FFFFFFF  }
0xd1: {  	(tm) =	ssettm $0x7FFFFFFF  }
tec
execute0_lowered:
.L_overlay_start_1:
0x0: {  	(tag) =	ssettag $0x1  }
0x1: {  	s1 =	srdreg.scid;
	s0 =	stileid.u32  }
0x2: {  	s1 =	sand.u32 $0x1, s1;
	s3 =	sshll.u32 s0, $0x1  }
0x3: {  	s2 =	rddreg [dreg:$0x0];
	s5 =	sor.u32 s1, s3  }
0x4: {  	s4 =	rddreg [dreg:$0x1];
	s6 =	sshll.u32 s5, $0x7  }
0x5: {  	s3 =	simm.s32 $0x0;
	s5 =	sshll.u32 s5, $0xE;
	s6 =	sadd.s32 s6, s4  }
0x6: {  	[smem:$0x7FF] =	sst s3;
	s31 =	sadd.s32 s5, s4;
	s6 =	sadd.s32 $0x2A00, s6  }
0x7: {  	_ =	strace $0x8000004A;
	s4 =	sadd.s32 $0x3A00, s31;
	[dreg:$0x3] =	wrdreg s6  }
0x8: {  	[dreg:$0x4] =	wrdreg s4  }
0x9: {  	s4 =	simm.s32 $0x9;
	s26 =	rddreg [dreg:$0x3]  }
0xa: {  	[tilespmem:s3], [sflag:$0x9] =	stream.linear.gather [hbm4b:s26+s3], $0x400, $0x38;
	[tilespmem:$0x10400] =	vst v63  }
0xb: {  	_ =	swait.ge [sflag:s4], $0x400  }
0xc: {  	[sflag:s4] =	ssyncset.done $0x0  }
0xd: {  	s5 =	simm.s32 $0x80;
	s6 =	simm.s32 $0x400;
	[sflag:s4] =	ssyncadd.s32 $0xFFFFFC00  }
0xe: {  	[tilespmem:s6], [sflag:$0x1] =	stream.indirect.gather [hbm4b:s2+s5], $0x80, s3, s5, $0xb8;
	[tilespmem:$0x10400] =	vst v63  }
0xf: {  	s7 =	simm.s32 $0x4400  }
0x10: {  	[tilespmem:s7], [sflag:$0x2] =	stream.indirect.gather [hbm4b:s2+s5], $0x80, s5, s5, $0xb8;
	[tilespmem:$0x10400] =	vst v63  }
0x11: {  	s8 =	simm.s32 $0x100;
	s9 =	simm.s32 $0x8400  }
0x12: {  	[tilespmem:s9], [sflag:$0x3] =	stream.indirect.gather [hbm4b:s2+s5], $0x80, s8, s5, $0xb8;
	[tilespmem:$0x10400] =	vst v63  }
0x13: {  	s10 =	simm.s32 $0x180;
	s11 =	simm.s32 $0xC400;
	s12 =	simm.s32 $0x1  }
0x14: {  	[tilespmem:s11], [sflag:$0x4] =	stream.indirect.gather [hbm4b:s2+s5], $0x80, s10, s5, $0xb8;
	[tilespmem:$0x10400] =	vst v63  }
0x15: {  	_ =	swait.ge [sflag:s12], $0x4000  }
0x16: {  	[sflag:s12] =	ssyncset.done $0x0  }
0x17: {  	s13 =	simm.s32 $0x5;
	s14 =	rddreg [dreg:$0x4];
	[sflag:s12] =	ssyncadd.s32 $0xFFFFC000  }
0x18: {  	[hbm4b:s14+s3] =	stream.linear.scatter [tilespmem:s6], [sflag:$0x5], $0x4000, $0x38;
	[tilespmem:$0x10400] =	vst v63  }
0x19: {  	_ =	swait.ge [sflag:s13], $0x4000  }
0x1a: {  	[sflag:s13] =	ssyncset.done $0x0  }
0x1b: {  	s15 =	simm.s32 $0x2;
	s14 =	simm.s32 $0x200;
	[sflag:s13] =	ssyncadd.s32 $0xFFFFC000  }
0x1c: {  	[tilespmem:s6], [sflag:$0x1] =	stream.indirect.gather [hbm4b:s2+s5], $0x80, s14, s5, $0xb8;
	[tilespmem:$0x10400] =	vst v63  }
0x1d: {  	_ =	swait.ge [sflag:s15], $0x4000  }
0x1e: {  	[sflag:s15] =	ssyncset.done $0x0  }
0x1f: {  	s17 =	simm.s32 $0x6;
	s16 =	sadd.s32 $0x4200, s31;
	[sflag:s15] =	ssyncadd.s32 $0xFFFFC000  }
0x20: {  	[hbm4b:s16+s3] =	stream.linear.scatter [tilespmem:s7], [sflag:$0x6], $0x4000, $0x38;
	[tilespmem:$0x10400] =	vst v63  }
0x21: {  	_ =	swait.ge [sflag:s17], $0x4000  }
0x22: {  	[sflag:s17] =	ssyncset.done $0x0  }
0x23: {  	s18 =	simm.s32 $0x280;
	s19 =	simm.s32 $0x3;
	[sflag:s17] =	ssyncadd.s32 $0xFFFFC000  }
0x24: {  	[tilespmem:s7], [sflag:$0x2] =	stream.indirect.gather [hbm4b:s2+s5], $0x80, s18, s5, $0xb8;
	[tilespmem:$0x10400] =	vst v63  }
0x25: {  	_ =	swait.ge [sflag:s19], $0x4000  }
0x26: {  	[sflag:s19] =	ssyncset.done $0x0  }
0x27: {  	s21 =	simm.s32 $0x7;
	s20 =	sadd.s32 $0x4A00, s31;
	[sflag:s19] =	ssyncadd.s32 $0xFFFFC000  }
0x28: {  	[hbm4b:s20+s3] =	stream.linear.scatter [tilespmem:s9], [sflag:$0x7], $0x4000, $0x38;
	[tilespmem:$0x10400] =	vst v63  }
0x29: {  	_ =	swait.ge [sflag:s21], $0x4000  }
0x2a: {  	[sflag:s21] =	ssyncset.done $0x0  }
0x2b: {  	s22 =	simm.s32 $0x300;
	s23 =	simm.s32 $0x4;
	[sflag:s21] =	ssyncadd.s32 $0xFFFFC000  }
0x2c: {  	[tilespmem:s9], [sflag:$0x3] =	stream.indirect.gather [hbm4b:s2+s5], $0x80, s22, s5, $0xb8;
	[tilespmem:$0x10400] =	vst v63  }
0x2d: {  	_ =	swait.ge [sflag:s23], $0x4000  }
0x2e: {  	[sflag:s23] =	ssyncset.done $0x0  }
0x2f: {  	s24 =	simm.s32 $0x8;
	s25 =	sadd.s32 $0x5200, s31;
	[sflag:s23] =	ssyncadd.s32 $0xFFFFC000  }
0x30: {  	[hbm4b:s25+s3] =	stream.linear.scatter [tilespmem:s11], [sflag:$0x8], $0x4000, $0x38;
	[tilespmem:$0x10400] =	vst v63  }
0x31: {  	_ =	swait.ge [sflag:s24], $0x4000  }
0x32: {  	[sflag:s24] =	ssyncset.done $0x0  }
0x33: {  	s26 =	simm.s32 $0x380;
	[sflag:s24] =	ssyncadd.s32 $0xFFFFC000  }
0x34: {  	[tilespmem:s11], [sflag:$0x4] =	stream.indirect.gather [hbm4b:s2+s5], $0x80, s26, s5, $0xb8;
	[tilespmem:$0x10400] =	vst v63  }
0x35: {  	_ =	swait.ge [sflag:s12], $0x4000  }
0x36: {  	[sflag:s12] =	ssyncset.done $0x0  }
0x37: {  	s28 =	sadd.s32 $0x5A00, s31;
	[sflag:s12] =	ssyncadd.s32 $0xFFFFC000  }
0x38: {  	[hbm4b:s28+s3] =	stream.linear.scatter [tilespmem:s6], [sflag:$0x5], $0x4000, $0x38;
	[tilespmem:$0x10400] =	vst v63  }
0x39: {  	_ =	swait.ge [sflag:s15], $0x4000  }
0x3a: {  	[sflag:s15] =	ssyncset.done $0x0  }
0x3b: {  	s29 =	sadd.s32 $0x6200, s31;
	[sflag:s15] =	ssyncadd.s32 $0xFFFFC000  }
0x3c: {  	[hbm4b:s29+s3] =	stream.linear.scatter [tilespmem:s7], [sflag:$0x6], $0x4000, $0x38;
	[tilespmem:$0x10400] =	vst v63  }
0x3d: {  	_ =	swait.ge [sflag:s19], $0x4000  }
0x3e: {  	[sflag:s19] =	ssyncset.done $0x0  }
0x3f: {  	s30 =	sadd.s32 $0x6A00, s31;
	[sflag:s19] =	ssyncadd.s32 $0xFFFFC000  }
0x40: {  	[hbm4b:s30+s3] =	stream.linear.scatter [tilespmem:s9], [sflag:$0x7], $0x4000, $0x38;
	[tilespmem:$0x10400] =	vst v63  }
0x41: {  	_ =	swait.ge [sflag:s23], $0x4000  }
0x42: {  	[sflag:s23] =	ssyncset.done $0x0  }
0x43: {  	s31 =	sadd.s32 $0x7200, s31;
	[sflag:s23] =	ssyncadd.s32 $0xFFFFC000  }
0x44: {  	[hbm4b:s31+s3] =	stream.linear.scatter [tilespmem:s11], [sflag:$0x8], $0x4000, $0x38;
	[tilespmem:$0x10400] =	vst v63  }
0x45: {  	s1 =	ssub.s32 $0x2, s1;
	_ =	swait.ge [sflag:s13], $0x4000  }
0x46: {  	s0 =	sshrl.u32 s1, $0x1;
	[sflag:s13] =	ssyncset.done $0x0  }
0x47: {  	s0 =	ssub.s32 s1, s0;
	[sflag:s13] =	ssyncadd.s32 $0xFFFFC000  }
0x48: {  	s0 =	smax.u32 s0, $0x1;
	_ =	swait.ge [sflag:s17], $0x4000  }
0x49: {  	p0 =	sne.s32 s0, $0x1;
	[sflag:s17] =	ssyncset.done $0x0  }
.Ltmp0:
0x4a: {  	[sflag:s17] =	ssyncadd.s32 $0xFFFFC000;
	(pc) =	sbr.rel @!p0 .LBB2_2-.Ltmp0, $4  }
0x4b: {  	_ =	swait.ge [sflag:s21], $0x4000  }
0x4c: {  	[sflag:s21] =	ssyncset.done $0x0  }
0x4d: {  	[sflag:s21] =	ssyncadd.s32 $0xFFFFC000  }
0x4e: {  	s1 =	sadd.s32 $0xFFFFFFFF, s0;
	_ =	swait.ge [sflag:s24], $0x4000  }
.LBB2_1:
0x4f: {  	[sflag:s24] =	ssyncset.done $0x0  }
0x50: {  	s0 =	rddreg [dreg:$0x3];
	[sflag:s24] =	ssyncadd.s32 $0xFFFFC000  }
0x51: {  	[tilespmem:s3], [sflag:$0x9] =	stream.linear.gather [hbm4b:s0+s3], $0x400, $0x38;
	[tilespmem:$0x10400] =	vst v63  }
0x52: {  	_ =	swait.ge [sflag:s4], $0x400  }
0x53: {  	[sflag:s4] =	ssyncset.done $0x0  }
0x54: {  	[sflag:s4] =	ssyncadd.s32 $0xFFFFFC00  }
0x55: {  	[tilespmem:s6], [sflag:$0x1] =	stream.indirect.gather [hbm4b:s2+s5], $0x80, s3, s5, $0xb8;
	[tilespmem:$0x10400] =	vst v63  }
0x56: {  	_ = 	snop  }
0x57: {  	[tilespmem:s7], [sflag:$0x2] =	stream.indirect.gather [hbm4b:s2+s5], $0x80, s5, s5, $0xb8;
	[tilespmem:$0x10400] =	vst v63  }
0x58: {  	_ = 	snop  }
0x59: {  	[tilespmem:s9], [sflag:$0x3] =	stream.indirect.gather [hbm4b:s2+s5], $0x80, s8, s5, $0xb8;
	[tilespmem:$0x10400] =	vst v63  }
0x5a: {  	_ = 	snop  }
0x5b: {  	[tilespmem:s11], [sflag:$0x4] =	stream.indirect.gather [hbm4b:s2+s5], $0x80, s10, s5, $0xb8;
	[tilespmem:$0x10400] =	vst v63  }
0x5c: {  	_ =	swait.ge [sflag:s12], $0x4000  }
0x5d: {  	[sflag:s12] =	ssyncset.done $0x0  }
0x5e: {  	s0 =	rddreg [dreg:$0x4];
	[sflag:s12] =	ssyncadd.s32 $0xFFFFC000  }
0x5f: {  	[hbm4b:s0+s3] =	stream.linear.scatter [tilespmem:s6], [sflag:$0x5], $0x4000, $0x38;
	[tilespmem:$0x10400] =	vst v63  }
0x60: {  	_ =	swait.ge [sflag:s13], $0x4000  }
0x61: {  	[sflag:s13] =	ssyncset.done $0x0  }
0x62: {  	[sflag:s13] =	ssyncadd.s32 $0xFFFFC000  }
0x63: {  	[tilespmem:s6], [sflag:$0x1] =	stream.indirect.gather [hbm4b:s2+s5], $0x80, s14, s5, $0xb8;
	[tilespmem:$0x10400] =	vst v63  }
0x64: {  	_ =	swait.ge [sflag:s15], $0x4000  }
0x65: {  	[sflag:s15] =	ssyncset.done $0x0  }
0x66: {  	[sflag:s15] =	ssyncadd.s32 $0xFFFFC000  }
0x67: {  	[hbm4b:s16+s3] =	stream.linear.scatter [tilespmem:s7], [sflag:$0x6], $0x4000, $0x38;
	[tilespmem:$0x10400] =	vst v63  }
0x68: {  	_ =	swait.ge [sflag:s17], $0x4000  }
0x69: {  	[sflag:s17] =	ssyncset.done $0x0  }
0x6a: {  	[sflag:s17] =	ssyncadd.s32 $0xFFFFC000  }
0x6b: {  	[tilespmem:s7], [sflag:$0x2] =	stream.indirect.gather [hbm4b:s2+s5], $0x80, s18, s5, $0xb8;
	[tilespmem:$0x10400] =	vst v63  }
0x6c: {  	_ =	swait.ge [sflag:s19], $0x4000  }
0x6d: {  	[sflag:s19] =	ssyncset.done $0x0  }
0x6e: {  	[sflag:s19] =	ssyncadd.s32 $0xFFFFC000  }
0x6f: {  	[hbm4b:s20+s3] =	stream.linear.scatter [tilespmem:s9], [sflag:$0x7], $0x4000, $0x38;
	[tilespmem:$0x10400] =	vst v63  }
0x70: {  	_ =	swait.ge [sflag:s21], $0x4000  }
0x71: {  	[sflag:s21] =	ssyncset.done $0x0  }
0x72: {  	[sflag:s21] =	ssyncadd.s32 $0xFFFFC000  }
0x73: {  	[tilespmem:s9], [sflag:$0x3] =	stream.indirect.gather [hbm4b:s2+s5], $0x80, s22, s5, $0xb8;
	[tilespmem:$0x10400] =	vst v63  }
0x74: {  	_ =	swait.ge [sflag:s23], $0x4000  }
0x75: {  	[sflag:s23] =	ssyncset.done $0x0  }
0x76: {  	[sflag:s23] =	ssyncadd.s32 $0xFFFFC000  }
0x77: {  	[hbm4b:s25+s3] =	stream.linear.scatter [tilespmem:s11], [sflag:$0x8], $0x4000, $0x38;
	[tilespmem:$0x10400] =	vst v63  }
0x78: {  	_ =	swait.ge [sflag:s24], $0x4000  }
0x79: {  	[sflag:s24] =	ssyncset.done $0x0  }
0x7a: {  	[sflag:s24] =	ssyncadd.s32 $0xFFFFC000  }
0x7b: {  	[tilespmem:s11], [sflag:$0x4] =	stream.indirect.gather [hbm4b:s2+s5], $0x80, s26, s5, $0xb8;
	[tilespmem:$0x10400] =	vst v63  }
0x7c: {  	_ =	swait.ge [sflag:s12], $0x4000  }
0x7d: {  	[sflag:s12] =	ssyncset.done $0x0  }
0x7e: {  	[sflag:s12] =	ssyncadd.s32 $0xFFFFC000  }
0x7f: {  	[hbm4b:s28+s3] =	stream.linear.scatter [tilespmem:s6], [sflag:$0x5], $0x4000, $0x38;
	[tilespmem:$0x10400] =	vst v63  }
0x80: {  	_ =	swait.ge [sflag:s15], $0x4000  }
0x81: {  	[sflag:s15] =	ssyncset.done $0x0  }
0x82: {  	[sflag:s15] =	ssyncadd.s32 $0xFFFFC000  }
0x83: {  	[hbm4b:s29+s3] =	stream.linear.scatter [tilespmem:s7], [sflag:$0x6], $0x4000, $0x38;
	[tilespmem:$0x10400] =	vst v63  }
0x84: {  	_ =	swait.ge [sflag:s19], $0x4000  }
0x85: {  	[sflag:s19] =	ssyncset.done $0x0  }
0x86: {  	[sflag:s19] =	ssyncadd.s32 $0xFFFFC000  }
0x87: {  	[hbm4b:s30+s3] =	stream.linear.scatter [tilespmem:s9], [sflag:$0x7], $0x4000, $0x38;
	[tilespmem:$0x10400] =	vst v63  }
0x88: {  	_ =	swait.ge [sflag:s23], $0x4000  }
0x89: {  	[sflag:s23] =	ssyncset.done $0x0  }
0x8a: {  	[sflag:s23] =	ssyncadd.s32 $0xFFFFC000  }
0x8b: {  	[hbm4b:s31+s3] =	stream.linear.scatter [tilespmem:s11], [sflag:$0x8], $0x4000, $0x38;
	[tilespmem:$0x10400] =	vst v63  }
0x8c: {  	_ =	swait.ge [sflag:s13], $0x4000  }
0x8d: {  	[sflag:s13] =	ssyncset.done $0x0  }
0x8e: {  	[sflag:s13] =	ssyncadd.s32 $0xFFFFC000  }
0x8f: {  	_ =	swait.ge [sflag:s17], $0x4000  }
0x90: {  	p0 =	sne.s32 s1, $0x1;
	[sflag:s17] =	ssyncset.done $0x0  }
.Ltmp1:
0x91: {  	[sflag:s17] =	ssyncadd.s32 $0xFFFFC000;
	(pc) =	sbr.rel @p0 .LBB2_1-.Ltmp1, $4  }
0x92: {  	_ =	swait.ge [sflag:s21], $0x4000  }
0x93: {  	[sflag:s21] =	ssyncset.done $0x0  }
0x94: {  	[sflag:s21] =	ssyncadd.s32 $0xFFFFC000  }
0x95: {  	s1 =	sadd.s32 $0xFFFFFFFF, s1;
	_ =	swait.ge [sflag:s24], $0x4000  }
.LBB2_2:
0x96: {  	[sflag:s24] =	ssyncset.done $0x0  }
0x97: {  	[sflag:s24] =	ssyncadd.s32 $0xFFFFC000  }
0x98: {  	_ =	sfence.sel $0x180000  }
0x99: {  	[bflag:$0x0] =	sbarrier.arrive $0xFFFF  }
0x9a: {  	_ =	strace $0x9000004A  }
0x9b: {  	s0 =	stileid.u32;
	[bflag:$0x2] =	sbarrier.arrive $0xFFFF  }
0x9c: {  	p0 =	sne.s32 s0, $0x0;
	s0 =	rddreg [dreg:$0x2]  }
0x9d: {  	s0 =	sadd.s32 @!p0 $0x100000, s0  }
0x9e: {  	[sflag:s0] =	ssyncadd.tile.s32 @!p0 $0x1;
	_ =	shalt  }
.Lfunc_end2:
_tile_overlayer_lowered:
.L_overlay_start_2:
0x9f: {  	(tag) =	ssettag $0x2  }
0xa0: {  	s0 =	rddreg [dreg:$0x0];
	s2 =	stileid.u32  }
0xa1: {  	s1 =	rddreg [dreg:$0x1];
	p0 =	sne.s32 s2, $0x0  }
0xa2: {  	s3 =	rddreg [dreg:$0x2];
	[bflag:$0x3] =	sbarrier.arrive $0xFFFF;
	s2 =	simm.s32 @!p0 $0x1C09  }
0xa3: {  	[timem:s3], [sflag:s2] =	dma.local @!p0 [hbm:s0], s1  }
0xa4: {  	s0 =	simm.s32 @!p0 $0x9  }
0xa5: {  	_ =	swait.ge @!p0 [sflag:s0], s1  }
0xa6: {  	s1 =	ssub.s32 @!p0 $0x0, s1;
	[sflag:s0] =	ssyncset.done @!p0 $0x0  }
0xa7: {  	[sflag:s0] =	ssyncadd.s32 @!p0 s1  }
0xa8: {  	[bflag:$0x3] =	sbarrier.arrive $0xFFFF  }
0xa9: {  	_ =	shalt  }

</sc_bundles>
